<compile_context>
chip_gen: v7x
topology: tpu7x:2x2x1
jax: 0.10.2.dev20260603
libtpu: 0.0.44.dev20260713+nightly
codegen_flags: <defaults>
</compile_context>

<pallas_src>
import functools

import jax
import jax.numpy as jnp
from jax import lax
from jax.experimental import pallas as pl
from jax.experimental.pallas import tpu as pltpu
from jax.experimental.pallas import tpu_sc as plsc

EMBED_DIM = 32
NUM_CORES = 2
NUM_SUBCORES = 16
NUM_WORKERS = NUM_CORES * NUM_SUBCORES
LANES = 16
ROW_UNROLL = 2


@functools.lru_cache(maxsize=None)
def _build_mf_kernel(batch: int):
    assert batch % (NUM_WORKERS * LANES) == 0
    b_per_w = batch // NUM_WORKERS
    mesh = plsc.VectorSubcoreMesh(
        core_axis_name="c", subcore_axis_name="s", num_cores=NUM_CORES
    )

    @functools.partial(
        pl.kernel,
        mesh=mesh,
        compiler_params=pltpu.CompilerParams(
            needs_layout_passes=False, use_tc_tiling_on_sc=False
        ),
        out_type=jax.ShapeDtypeStruct((batch,), jnp.float32),
        scratch_types=[
            pltpu.VMEM((2, b_per_w), jnp.int32),
            pltpu.VMEM((b_per_w, EMBED_DIM), jnp.float32),
            pltpu.VMEM((b_per_w, EMBED_DIM), jnp.float32),
            pltpu.VMEM((b_per_w,), jnp.float32),
            pltpu.VMEM((b_per_w,), jnp.float32),
            pltpu.VMEM((LANES,), jnp.float32),
            pltpu.VMEM((LANES * b_per_w,), jnp.float32),
            pltpu.VMEM((b_per_w,), jnp.float32),
            pltpu.SemaphoreType.DMA,
            pltpu.SemaphoreType.DMA,
            pltpu.SemaphoreType.DMA,
        ],
    )
    def mf_kernel(
        ids_hbm, utab_hbm, itab_hbm, ubias_hbm, ibias_hbm, gb_hbm,
        out_hbm,
        idx_v, urows_v, irows_v, ubias_v, ibias_v, gb_v, pt_v, out_v,
        sem, sem2, bias_sem,
    ):
        wid = lax.axis_index("s") * NUM_CORES + lax.axis_index("c")
        base = wid * b_per_w

        half = b_per_w // 2
        pltpu.sync_copy(ids_hbm.at[wid, :, pl.ds(0, half)],
                        idx_v.at[:, pl.ds(0, half)])
        row_copies0 = (
            pltpu.async_copy(utab_hbm.at[idx_v.at[0, pl.ds(0, half)]],
                             urows_v.at[pl.ds(0, half), :], sem),
            pltpu.async_copy(itab_hbm.at[idx_v.at[1, pl.ds(0, half)]],
                             irows_v.at[pl.ds(0, half), :], sem),
        )
        pltpu.sync_copy(ids_hbm.at[wid, :, pl.ds(half, half)],
                        idx_v.at[:, pl.ds(half, half)])
        row_copies1 = (
            pltpu.async_copy(utab_hbm.at[idx_v.at[0, pl.ds(half, half)]],
                             urows_v.at[pl.ds(half, half), :], sem2),
            pltpu.async_copy(itab_hbm.at[idx_v.at[1, pl.ds(half, half)]],
                             irows_v.at[pl.ds(half, half), :], sem2),
        )
        bias_copies = (
            pltpu.async_copy(ubias_hbm.at[idx_v.at[0]], ubias_v, bias_sem),
            pltpu.async_copy(ibias_hbm.at[idx_v.at[1]], ibias_v, bias_sem),
        )
        pltpu.sync_copy(gb_hbm, gb_v)

        lane_off = lax.iota(jnp.int32, LANES) * b_per_w

        for cp in row_copies0:
            cp.wait()

        @plsc.parallel_loop(0, half, ROW_UNROLL)
        def dot_body0(r):
            for u in range(ROW_UNROLL):
                ru = r + u
                prod = (
                    urows_v[ru, pl.ds(0, LANES)]
                    * irows_v[ru, pl.ds(0, LANES)]
                    + urows_v[ru, pl.ds(LANES, LANES)]
                    * irows_v[ru, pl.ds(LANES, LANES)]
                )
                plsc.store_scatter(pt_v, [lane_off + ru], prod)

        for cp in row_copies1:
            cp.wait()

        @plsc.parallel_loop(half, b_per_w, ROW_UNROLL)
        def dot_body1(r):
            for u in range(ROW_UNROLL):
                ru = r + u
                prod = (
                    urows_v[ru, pl.ds(0, LANES)]
                    * irows_v[ru, pl.ds(0, LANES)]
                    + urows_v[ru, pl.ds(LANES, LANES)]
                    * irows_v[ru, pl.ds(LANES, LANES)]
                )
                plsc.store_scatter(pt_v, [lane_off + ru], prod)

        for cp in bias_copies:
            cp.wait()
        gb = gb_v[...]

        @plsc.parallel_loop(0, b_per_w, LANES)
        def fold_body(off):
            acc = ubias_v[pl.ds(off, LANES)] + ibias_v[pl.ds(off, LANES)] + gb
            for l in range(LANES):
                acc = acc + pt_v[pl.ds(l * b_per_w + off, LANES)]
            out_v[pl.ds(off, LANES)] = acc

        pltpu.sync_copy(out_v, out_hbm.at[pl.ds(base, b_per_w)])

    return mf_kernel


def kernel(ids, embedding_users, embedding_items, bias_users, bias_items,
           global_bias):
    batch = ids.shape[0]
    b_per_w = batch // NUM_WORKERS
    idall = (
        ids.astype(jnp.int32).reshape(NUM_WORKERS, b_per_w, 2)
        .transpose(0, 2, 1)
    )
    utab = embedding_users.reshape(-1, EMBED_DIM)
    itab = embedding_items.reshape(-1, EMBED_DIM)
    gb = jnp.broadcast_to(global_bias.astype(jnp.float32), (LANES,))
    return _build_mf_kernel(batch)(
        idall, utab, itab, bias_users, bias_items, gb
    )

# --- scband reference (transcript-rebuilt; emitter-appended) ---
"""Pipeline reference for scband-mf-20822001451204 (READ-ONLY COPY).

The authoritative reference and input builder live on the scoring server;
editing this copy changes nothing except your own understanding.
"""

import jax, jax.numpy as jnp
import numpy as np

NUM_USERS = 1000000
NUM_ITEMS = 1000000
EMBED = 32

def setup_inputs(seed: int = 0) -> dict:
    key = jax.random.key(seed)
    k_ids, k_u, k_i = jax.random.split(key, 3)
    ids = jax.random.randint(k_ids, (16384, 2), 0, NUM_USERS, dtype=jnp.int64)
    std = 1.0 / np.square(EMBED)
    embedding_users = (jax.random.truncated_normal(k_u, -2.0, 2.0, (NUM_USERS * EMBED,), dtype=jnp.float32) * std)
    embedding_items = (jax.random.truncated_normal(k_i, -2.0, 2.0, (NUM_ITEMS * EMBED,), dtype=jnp.float32) * std)
    bias_users = jnp.zeros((NUM_USERS,), dtype=jnp.float32)
    bias_items = jnp.zeros((NUM_ITEMS,), dtype=jnp.float32)
    global_bias = jnp.zeros((1,), dtype=jnp.float32)
    return {
        "ids": ids,
        "embedding_users": embedding_users,
        "embedding_items": embedding_items,
        "bias_users": bias_users,
        "bias_items": bias_items,
        "global_bias": global_bias,
    }

def reference(ids, embedding_users, embedding_items, bias_users, bias_items, global_bias):
    # Faithful translation of MF.get_predict (batched branch: len(ids[0].shape) != 0)
    user_table = embedding_users.reshape(-1, EMBED)
    item_table = embedding_items.reshape(-1, EMBED)
    user_embedding = jnp.take(user_table, ids[:, 0], axis=0)
    item_embedding = jnp.take(item_table, ids[:, 1], axis=0)
    user_bias = jnp.take(bias_users, ids[:, 0], axis=0)
    item_bias = jnp.take(bias_items, ids[:, 1], axis=0)
    rating = jnp.sum(user_embedding * item_embedding, axis=1) + user_bias + item_bias + global_bias
    return rating

if __name__ == "__main__":
    import jax
    _d = setup_inputs()
    print(jax.jit(kernel)(*tuple(_d.values())))

</pallas_src>

<mosaic_0001>
#map = affine_map<(d0, d1) -> (0, 0, 0)>
#map1 = affine_map<(d0, d1) -> (0, 0)>
#map2 = affine_map<(d0, d1) -> (0)>
module attributes {stable_mosaic.version = 14 : i64} {
  func.func @mf_kernel(%arg0: i32, %arg1: i32, %arg2: memref<32x2x512xi32, #tpu.memory_space<hbm>>, %arg3: memref<1000000x32xf32, #tpu.memory_space<hbm>>, %arg4: memref<1000000x32xf32, #tpu.memory_space<hbm>>, %arg5: memref<1000000xf32, #tpu.memory_space<hbm>>, %arg6: memref<1000000xf32, #tpu.memory_space<hbm>>, %arg7: memref<16xf32, #tpu.memory_space<hbm>>, %arg8: memref<16384xf32, #tpu.memory_space<hbm>>, %arg9: memref<2x512xi32, #tpu.memory_space<vmem>>, %arg10: memref<512x32xf32, #tpu.memory_space<vmem>>, %arg11: memref<512x32xf32, #tpu.memory_space<vmem>>, %arg12: memref<512xf32, #tpu.memory_space<vmem>>, %arg13: memref<512xf32, #tpu.memory_space<vmem>>, %arg14: memref<16xf32, #tpu.memory_space<vmem>>, %arg15: memref<8192xf32, #tpu.memory_space<vmem>>, %arg16: memref<512xf32, #tpu.memory_space<vmem>>, %arg17: memref<!tpu.dma_semaphore, #tpu.memory_space<semaphore_mem>>, %arg18: memref<!tpu.dma_semaphore, #tpu.memory_space<semaphore_mem>>, %arg19: memref<!tpu.dma_semaphore, #tpu.memory_space<semaphore_mem>>) attributes {dimension_semantics = [#tpu.dimension_semantics<core_parallel>, #tpu.dimension_semantics<subcore_parallel>], iteration_bounds = array<i64: 2, 16>, scalar_prefetch = 0 : i64, scratch_operands = 11 : i64, tpu.core_type = #tpu.core_type<sc_vector_subcore>, window_params = [{transform_indices = #map}, {transform_indices = #map1}, {transform_indices = #map1}, {transform_indices = #map2}, {transform_indices = #map2}, {transform_indices = #map2}, {transform_indices = #map2}]} {
    %mul3A = arith.constant 2 : i32
    %mul3A_0 = arith.muli %arg1, %mul3A : i32
    %add3A = arith.addi %mul3A_0, %arg0 : i32
    %mul3A_1 = arith.constant 512 : i32
    %mul3A_2 = arith.muli %add3A, %mul3A_1 : i32
    "tpu.region"() ({
      %run_scoped3A = tpu.sem_alloc : memref<!tpu.dma_semaphore, #tpu.memory_space<semaphore_mem>>
      %dma_start3A_117 = arith.constant 0 : i32
      %dma_start3A_118 = arith.constant 0 : i32
      %dma_start3A_119 = tpu.memref_slice %arg9[%dma_start3A_117, %dma_start3A_118] : memref<2x512xi32, #tpu.memory_space<vmem>> -> memref<2x256xi32, #tpu.memory_space<vmem>>
      %dma_start3A_120 = arith.constant 0 : i32
      %dma_start3A_121 = arith.constant 0 : i32
      %dma_start3A_122 = tpu.memref_slice %arg2[%add3A, %dma_start3A_120, %dma_start3A_121] : memref<32x2x512xi32, #tpu.memory_space<hbm>> -> memref<1x2x256xi32, #tpu.memory_space<hbm>>
      %dma_start3A_123 = tpu.memref_squeeze %dma_start3A_122 : memref<1x2x256xi32, #tpu.memory_space<hbm>> -> memref<2x256xi32, #tpu.memory_space<hbm>>
      %dma_start3A_124 = arith.constant 0 : i32
      %dma_start3A_125 = arith.constant 0 : i32
      %dma_start3A_126 = tpu.memref_slice %arg9[%dma_start3A_124, %dma_start3A_125] : memref<2x512xi32, #tpu.memory_space<vmem>> -> memref<2x256xi32, #tpu.memory_space<vmem>>
      %dma_start3A_127 = arith.constant 0 : i32
      %dma_start3A_128 = arith.constant 0 : i32
      %dma_start3A_129 = tpu.memref_slice %arg2[%add3A, %dma_start3A_127, %dma_start3A_128] : memref<32x2x512xi32, #tpu.memory_space<hbm>> -> memref<1x2x256xi32, #tpu.memory_space<hbm>>
      %dma_start3A_130 = tpu.memref_squeeze %dma_start3A_129 : memref<1x2x256xi32, #tpu.memory_space<hbm>> -> memref<2x256xi32, #tpu.memory_space<hbm>>
      tpu.enqueue_dma source(%dma_start3A_130 : memref<2x256xi32, #tpu.memory_space<hbm>>) target(%dma_start3A_126 : memref<2x256xi32, #tpu.memory_space<vmem>>) target_semaphore(%run_scoped3A : memref<!tpu.dma_semaphore, #tpu.memory_space<semaphore_mem>>)
      %dma_wait3A_131 = arith.constant 0 : i32
      %dma_wait3A_132 = arith.constant 0 : i32
      %dma_wait3A_133 = tpu.memref_slice %arg9[%dma_wait3A_131, %dma_wait3A_132] : memref<2x512xi32, #tpu.memory_space<vmem>> -> memref<2x256xi32, #tpu.memory_space<vmem>>
      %dma_wait3A_134 = arith.constant 0 : i32
      %dma_wait3A_135 = arith.constant 0 : i32
      %dma_wait3A_136 = tpu.memref_slice %arg2[%add3A, %dma_wait3A_134, %dma_wait3A_135] : memref<32x2x512xi32, #tpu.memory_space<hbm>> -> memref<1x2x256xi32, #tpu.memory_space<hbm>>
      %dma_wait3A_137 = tpu.memref_squeeze %dma_wait3A_136 : memref<1x2x256xi32, #tpu.memory_space<hbm>> -> memref<2x256xi32, #tpu.memory_space<hbm>>
      %dma_wait3A_138 = arith.constant 0 : i32
      %dma_wait3A_139 = arith.constant 0 : i32
      %dma_wait3A_140 = tpu.memref_slice %arg9[%dma_wait3A_138, %dma_wait3A_139] : memref<2x512xi32, #tpu.memory_space<vmem>> -> memref<2x256xi32, #tpu.memory_space<vmem>>
      %dma_wait3A_141 = arith.constant 0 : i32
      %dma_wait3A_142 = arith.constant 0 : i32
      %dma_wait3A_143 = tpu.memref_slice %arg2[%add3A, %dma_wait3A_141, %dma_wait3A_142] : memref<32x2x512xi32, #tpu.memory_space<hbm>> -> memref<1x2x256xi32, #tpu.memory_space<hbm>>
      %dma_wait3A_144 = tpu.memref_squeeze %dma_wait3A_143 : memref<1x2x256xi32, #tpu.memory_space<hbm>> -> memref<2x256xi32, #tpu.memory_space<hbm>>
      tpu.wait_dma2 semaphore(%run_scoped3A : memref<!tpu.dma_semaphore, #tpu.memory_space<semaphore_mem>>) src(%dma_wait3A_144 : memref<2x256xi32, #tpu.memory_space<hbm>>) dst(%dma_wait3A_140 : memref<2x256xi32, #tpu.memory_space<vmem>>)
      tpu.yield
    }) : () -> ()
    %dma_start3A = arith.constant 0 : i32
    %dma_start3A_3 = arith.constant 0 : i32
    %dma_start3A_4 = arith.constant 0 : i32
    %dma_start3A_5 = tpu.memref_slice %arg10[%dma_start3A_3, %dma_start3A_4] : memref<512x32xf32, #tpu.memory_space<vmem>> -> memref<256x32xf32, #tpu.memory_space<vmem>>
    %dma_start3A_6 = arith.constant 0 : i32
    %dma_start3A_7 = tpu.memref_slice %arg9[%dma_start3A, %dma_start3A_6] : memref<2x512xi32, #tpu.memory_space<vmem>> -> memref<1x256xi32, #tpu.memory_space<vmem>>
    %dma_start3A_8 = tpu.memref_squeeze %dma_start3A_7 : memref<1x256xi32, #tpu.memory_space<vmem>> -> memref<256xi32, #tpu.memory_space<vmem>>
    %dma_start3A_9 = arith.constant 0 : i32
    %dma_start3A_10 = arith.constant 0 : i32
    %dma_start3A_11 = tpu.memref_slice %arg3[%dma_start3A_9, %dma_start3A_10] : memref<1000000x32xf32, #tpu.memory_space<hbm>> -> memref<1000000x32xf32, #tpu.memory_space<hbm>>
    tpu.enqueue_indirect_dma source(%dma_start3A_11 : memref<1000000x32xf32, #tpu.memory_space<hbm>>) target(%dma_start3A_5 : memref<256x32xf32, #tpu.memory_space<vmem>>) offsets(%dma_start3A_8 : memref<256xi32, #tpu.memory_space<vmem>>) semaphore(%arg17 : memref<!tpu.dma_semaphore, #tpu.memory_space<semaphore_mem>>)
    %dma_start3A_12 = arith.constant 1 : i32
    %dma_start3A_13 = arith.constant 0 : i32
    %dma_start3A_14 = arith.constant 0 : i32
    %dma_start3A_15 = tpu.memref_slice %arg11[%dma_start3A_13, %dma_start3A_14] : memref<512x32xf32, #tpu.memory_space<vmem>> -> memref<256x32xf32, #tpu.memory_space<vmem>>
    %dma_start3A_16 = arith.constant 0 : i32
    %dma_start3A_17 = tpu.memref_slice %arg9[%dma_start3A_12, %dma_start3A_16] : memref<2x512xi32, #tpu.memory_space<vmem>> -> memref<1x256xi32, #tpu.memory_space<vmem>>
    %dma_start3A_18 = tpu.memref_squeeze %dma_start3A_17 : memref<1x256xi32, #tpu.memory_space<vmem>> -> memref<256xi32, #tpu.memory_space<vmem>>
    %dma_start3A_19 = arith.constant 0 : i32
    %dma_start3A_20 = arith.constant 0 : i32
    %dma_start3A_21 = tpu.memref_slice %arg4[%dma_start3A_19, %dma_start3A_20] : memref<1000000x32xf32, #tpu.memory_space<hbm>> -> memref<1000000x32xf32, #tpu.memory_space<hbm>>
    tpu.enqueue_indirect_dma source(%dma_start3A_21 : memref<1000000x32xf32, #tpu.memory_space<hbm>>) target(%dma_start3A_15 : memref<256x32xf32, #tpu.memory_space<vmem>>) offsets(%dma_start3A_18 : memref<256xi32, #tpu.memory_space<vmem>>) semaphore(%arg17 : memref<!tpu.dma_semaphore, #tpu.memory_space<semaphore_mem>>)
    "tpu.region"() ({
      %run_scoped3A = tpu.sem_alloc : memref<!tpu.dma_semaphore, #tpu.memory_space<semaphore_mem>>
      %dma_start3A_117 = arith.constant 0 : i32
      %dma_start3A_118 = arith.constant 256 : i32
      %dma_start3A_119 = tpu.memref_slice %arg9[%dma_start3A_117, %dma_start3A_118] : memref<2x512xi32, #tpu.memory_space<vmem>> -> memref<2x256xi32, #tpu.memory_space<vmem>>
      %dma_start3A_120 = arith.constant 0 : i32
      %dma_start3A_121 = arith.constant 256 : i32
      %dma_start3A_122 = tpu.memref_slice %arg2[%add3A, %dma_start3A_120, %dma_start3A_121] : memref<32x2x512xi32, #tpu.memory_space<hbm>> -> memref<1x2x256xi32, #tpu.memory_space<hbm>>
      %dma_start3A_123 = tpu.memref_squeeze %dma_start3A_122 : memref<1x2x256xi32, #tpu.memory_space<hbm>> -> memref<2x256xi32, #tpu.memory_space<hbm>>
      %dma_start3A_124 = arith.constant 0 : i32
      %dma_start3A_125 = arith.constant 256 : i32
      %dma_start3A_126 = tpu.memref_slice %arg9[%dma_start3A_124, %dma_start3A_125] : memref<2x512xi32, #tpu.memory_space<vmem>> -> memref<2x256xi32, #tpu.memory_space<vmem>>
      %dma_start3A_127 = arith.constant 0 : i32
      %dma_start3A_128 = arith.constant 256 : i32
      %dma_start3A_129 = tpu.memref_slice %arg2[%add3A, %dma_start3A_127, %dma_start3A_128] : memref<32x2x512xi32, #tpu.memory_space<hbm>> -> memref<1x2x256xi32, #tpu.memory_space<hbm>>
      %dma_start3A_130 = tpu.memref_squeeze %dma_start3A_129 : memref<1x2x256xi32, #tpu.memory_space<hbm>> -> memref<2x256xi32, #tpu.memory_space<hbm>>
      tpu.enqueue_dma source(%dma_start3A_130 : memref<2x256xi32, #tpu.memory_space<hbm>>) target(%dma_start3A_126 : memref<2x256xi32, #tpu.memory_space<vmem>>) target_semaphore(%run_scoped3A : memref<!tpu.dma_semaphore, #tpu.memory_space<semaphore_mem>>)
      %dma_wait3A_131 = arith.constant 0 : i32
      %dma_wait3A_132 = arith.constant 256 : i32
      %dma_wait3A_133 = tpu.memref_slice %arg9[%dma_wait3A_131, %dma_wait3A_132] : memref<2x512xi32, #tpu.memory_space<vmem>> -> memref<2x256xi32, #tpu.memory_space<vmem>>
      %dma_wait3A_134 = arith.constant 0 : i32
      %dma_wait3A_135 = arith.constant 256 : i32
      %dma_wait3A_136 = tpu.memref_slice %arg2[%add3A, %dma_wait3A_134, %dma_wait3A_135] : memref<32x2x512xi32, #tpu.memory_space<hbm>> -> memref<1x2x256xi32, #tpu.memory_space<hbm>>
      %dma_wait3A_137 = tpu.memref_squeeze %dma_wait3A_136 : memref<1x2x256xi32, #tpu.memory_space<hbm>> -> memref<2x256xi32, #tpu.memory_space<hbm>>
      %dma_wait3A_138 = arith.constant 0 : i32
      %dma_wait3A_139 = arith.constant 256 : i32
      %dma_wait3A_140 = tpu.memref_slice %arg9[%dma_wait3A_138, %dma_wait3A_139] : memref<2x512xi32, #tpu.memory_space<vmem>> -> memref<2x256xi32, #tpu.memory_space<vmem>>
      %dma_wait3A_141 = arith.constant 0 : i32
      %dma_wait3A_142 = arith.constant 256 : i32
      %dma_wait3A_143 = tpu.memref_slice %arg2[%add3A, %dma_wait3A_141, %dma_wait3A_142] : memref<32x2x512xi32, #tpu.memory_space<hbm>> -> memref<1x2x256xi32, #tpu.memory_space<hbm>>
      %dma_wait3A_144 = tpu.memref_squeeze %dma_wait3A_143 : memref<1x2x256xi32, #tpu.memory_space<hbm>> -> memref<2x256xi32, #tpu.memory_space<hbm>>
      tpu.wait_dma2 semaphore(%run_scoped3A : memref<!tpu.dma_semaphore, #tpu.memory_space<semaphore_mem>>) src(%dma_wait3A_144 : memref<2x256xi32, #tpu.memory_space<hbm>>) dst(%dma_wait3A_140 : memref<2x256xi32, #tpu.memory_space<vmem>>)
      tpu.yield
    }) : () -> ()
    %dma_start3A_22 = arith.constant 0 : i32
    %dma_start3A_23 = arith.constant 256 : i32
    %dma_start3A_24 = arith.constant 0 : i32
    %dma_start3A_25 = tpu.memref_slice %arg10[%dma_start3A_23, %dma_start3A_24] : memref<512x32xf32, #tpu.memory_space<vmem>> -> memref<256x32xf32, #tpu.memory_space<vmem>>
    %dma_start3A_26 = arith.constant 256 : i32
    %dma_start3A_27 = tpu.memref_slice %arg9[%dma_start3A_22, %dma_start3A_26] : memref<2x512xi32, #tpu.memory_space<vmem>> -> memref<1x256xi32, #tpu.memory_space<vmem>>
    %dma_start3A_28 = tpu.memref_squeeze %dma_start3A_27 : memref<1x256xi32, #tpu.memory_space<vmem>> -> memref<256xi32, #tpu.memory_space<vmem>>
    %dma_start3A_29 = arith.constant 0 : i32
    %dma_start3A_30 = arith.constant 0 : i32
    %dma_start3A_31 = tpu.memref_slice %arg3[%dma_start3A_29, %dma_start3A_30] : memref<1000000x32xf32, #tpu.memory_space<hbm>> -> memref<1000000x32xf32, #tpu.memory_space<hbm>>
    tpu.enqueue_indirect_dma source(%dma_start3A_31 : memref<1000000x32xf32, #tpu.memory_space<hbm>>) target(%dma_start3A_25 : memref<256x32xf32, #tpu.memory_space<vmem>>) offsets(%dma_start3A_28 : memref<256xi32, #tpu.memory_space<vmem>>) semaphore(%arg18 : memref<!tpu.dma_semaphore, #tpu.memory_space<semaphore_mem>>)
    %dma_start3A_32 = arith.constant 1 : i32
    %dma_start3A_33 = arith.constant 256 : i32
    %dma_start3A_34 = arith.constant 0 : i32
    %dma_start3A_35 = tpu.memref_slice %arg11[%dma_start3A_33, %dma_start3A_34] : memref<512x32xf32, #tpu.memory_space<vmem>> -> memref<256x32xf32, #tpu.memory_space<vmem>>
    %dma_start3A_36 = arith.constant 256 : i32
    %dma_start3A_37 = tpu.memref_slice %arg9[%dma_start3A_32, %dma_start3A_36] : memref<2x512xi32, #tpu.memory_space<vmem>> -> memref<1x256xi32, #tpu.memory_space<vmem>>
    %dma_start3A_38 = tpu.memref_squeeze %dma_start3A_37 : memref<1x256xi32, #tpu.memory_space<vmem>> -> memref<256xi32, #tpu.memory_space<vmem>>
    %dma_start3A_39 = arith.constant 0 : i32
    %dma_start3A_40 = arith.constant 0 : i32
    %dma_start3A_41 = tpu.memref_slice %arg4[%dma_start3A_39, %dma_start3A_40] : memref<1000000x32xf32, #tpu.memory_space<hbm>> -> memref<1000000x32xf32, #tpu.memory_space<hbm>>
    tpu.enqueue_indirect_dma source(%dma_start3A_41 : memref<1000000x32xf32, #tpu.memory_space<hbm>>) target(%dma_start3A_35 : memref<256x32xf32, #tpu.memory_space<vmem>>) offsets(%dma_start3A_38 : memref<256xi32, #tpu.memory_space<vmem>>) semaphore(%arg18 : memref<!tpu.dma_semaphore, #tpu.memory_space<semaphore_mem>>)
    %dma_start3A_42 = arith.constant 0 : i32
    %dma_start3A_43 = arith.constant 0 : i32
    %dma_start3A_44 = tpu.memref_slice %arg9[%dma_start3A_42, %dma_start3A_43] : memref<2x512xi32, #tpu.memory_space<vmem>> -> memref<1x512xi32, #tpu.memory_space<vmem>>
    %dma_start3A_45 = tpu.memref_squeeze %dma_start3A_44 : memref<1x512xi32, #tpu.memory_space<vmem>> -> memref<512xi32, #tpu.memory_space<vmem>>
    %dma_start3A_46 = arith.constant 0 : i32
    %dma_start3A_47 = tpu.memref_slice %arg5[%dma_start3A_46] : memref<1000000xf32, #tpu.memory_space<hbm>> -> memref<1000000xf32, #tpu.memory_space<hbm>>
    tpu.enqueue_indirect_dma source(%dma_start3A_47 : memref<1000000xf32, #tpu.memory_space<hbm>>) target(%arg12 : memref<512xf32, #tpu.memory_space<vmem>>) offsets(%dma_start3A_45 : memref<512xi32, #tpu.memory_space<vmem>>) semaphore(%arg19 : memref<!tpu.dma_semaphore, #tpu.memory_space<semaphore_mem>>)
    %dma_start3A_48 = arith.constant 1 : i32
    %dma_start3A_49 = arith.constant 0 : i32
    %dma_start3A_50 = tpu.memref_slice %arg9[%dma_start3A_48, %dma_start3A_49] : memref<2x512xi32, #tpu.memory_space<vmem>> -> memref<1x512xi32, #tpu.memory_space<vmem>>
    %dma_start3A_51 = tpu.memref_squeeze %dma_start3A_50 : memref<1x512xi32, #tpu.memory_space<vmem>> -> memref<512xi32, #tpu.memory_space<vmem>>
    %dma_start3A_52 = arith.constant 0 : i32
    %dma_start3A_53 = tpu.memref_slice %arg6[%dma_start3A_52] : memref<1000000xf32, #tpu.memory_space<hbm>> -> memref<1000000xf32, #tpu.memory_space<hbm>>
    tpu.enqueue_indirect_dma source(%dma_start3A_53 : memref<1000000xf32, #tpu.memory_space<hbm>>) target(%arg13 : memref<512xf32, #tpu.memory_space<vmem>>) offsets(%dma_start3A_51 : memref<512xi32, #tpu.memory_space<vmem>>) semaphore(%arg19 : memref<!tpu.dma_semaphore, #tpu.memory_space<semaphore_mem>>)
    "tpu.region"() ({
      %run_scoped3A = tpu.sem_alloc : memref<!tpu.dma_semaphore, #tpu.memory_space<semaphore_mem>>
      tpu.enqueue_dma source(%arg7 : memref<16xf32, #tpu.memory_space<hbm>>) target(%arg14 : memref<16xf32, #tpu.memory_space<vmem>>) target_semaphore(%run_scoped3A : memref<!tpu.dma_semaphore, #tpu.memory_space<semaphore_mem>>)
      tpu.wait_dma2 semaphore(%run_scoped3A : memref<!tpu.dma_semaphore, #tpu.memory_space<semaphore_mem>>) src(%arg7 : memref<16xf32, #tpu.memory_space<hbm>>) dst(%arg14 : memref<16xf32, #tpu.memory_space<vmem>>)
      tpu.yield
    }) : () -> ()
    %iota3A = tpu.iota {dimensions = array<i32: 0>} : vector<16xi32>
    %mul3A_54 = arith.constant 512 : i32
    %mul3A_55 = vector.broadcast %mul3A_54 : i32 to vector<16xi32>
    %mul3A_56 = arith.muli %iota3A, %mul3A_55 : vector<16xi32>
    %dma_wait3A = arith.constant 0 : i32
    %dma_wait3A_57 = arith.constant 0 : i32
    %dma_wait3A_58 = arith.constant 0 : i32
    %dma_wait3A_59 = tpu.memref_slice %arg10[%dma_wait3A_57, %dma_wait3A_58] : memref<512x32xf32, #tpu.memory_space<vmem>> -> memref<256x32xf32, #tpu.memory_space<vmem>>
    %dma_wait3A_60 = arith.constant 0 : i32
    %dma_wait3A_61 = tpu.memref_slice %arg9[%dma_wait3A, %dma_wait3A_60] : memref<2x512xi32, #tpu.memory_space<vmem>> -> memref<1x256xi32, #tpu.memory_space<vmem>>
    %dma_wait3A_62 = tpu.memref_squeeze %dma_wait3A_61 : memref<1x256xi32, #tpu.memory_space<vmem>> -> memref<256xi32, #tpu.memory_space<vmem>>
    %dma_wait3A_63 = arith.constant 0 : i32
    %dma_wait3A_64 = arith.constant 0 : i32
    %dma_wait3A_65 = tpu.memref_slice %arg3[%dma_wait3A_63, %dma_wait3A_64] : memref<1000000x32xf32, #tpu.memory_space<hbm>> -> memref<1000000x32xf32, #tpu.memory_space<hbm>>
    tpu.wait_indirect_dma semaphore(%arg17 : memref<!tpu.dma_semaphore, #tpu.memory_space<semaphore_mem>>) src(%dma_wait3A_65 : memref<1000000x32xf32, #tpu.memory_space<hbm>>) dst(%dma_wait3A_59 : memref<256x32xf32, #tpu.memory_space<vmem>>)
    %dma_wait3A_66 = arith.constant 1 : i32
    %dma_wait3A_67 = arith.constant 0 : i32
    %dma_wait3A_68 = arith.constant 0 : i32
    %dma_wait3A_69 = tpu.memref_slice %arg11[%dma_wait3A_67, %dma_wait3A_68] : memref<512x32xf32, #tpu.memory_space<vmem>> -> memref<256x32xf32, #tpu.memory_space<vmem>>
    %dma_wait3A_70 = arith.constant 0 : i32
    %dma_wait3A_71 = tpu.memref_slice %arg9[%dma_wait3A_66, %dma_wait3A_70] : memref<2x512xi32, #tpu.memory_space<vmem>> -> memref<1x256xi32, #tpu.memory_space<vmem>>
    %dma_wait3A_72 = tpu.memref_squeeze %dma_wait3A_71 : memref<1x256xi32, #tpu.memory_space<vmem>> -> memref<256xi32, #tpu.memory_space<vmem>>
    %dma_wait3A_73 = arith.constant 0 : i32
    %dma_wait3A_74 = arith.constant 0 : i32
    %dma_wait3A_75 = tpu.memref_slice %arg4[%dma_wait3A_73, %dma_wait3A_74] : memref<1000000x32xf32, #tpu.memory_space<hbm>> -> memref<1000000x32xf32, #tpu.memory_space<hbm>>
    tpu.wait_indirect_dma semaphore(%arg17 : memref<!tpu.dma_semaphore, #tpu.memory_space<semaphore_mem>>) src(%dma_wait3A_75 : memref<1000000x32xf32, #tpu.memory_space<hbm>>) dst(%dma_wait3A_69 : memref<256x32xf32, #tpu.memory_space<vmem>>)
    %parallel_loop3A = arith.constant 0 : i32
    %parallel_loop3A_76 = arith.constant 256 : i32
    %parallel_loop3A_77 = arith.constant 2 : i32
    scf.for %parallel_loop3A_117 = %parallel_loop3A to %parallel_loop3A_76 step %parallel_loop3A_77  : i32 {
      %parallel_loop3A_118 = arith.constant 0 : i32
      %parallel_loop3A_119 = arith.addi %parallel_loop3A_117, %parallel_loop3A_118 : i32
      %parallel_loop3A_120 = arith.index_cast %parallel_loop3A_119 : i32 to index
      %parallel_loop3A_121 = arith.constant 0 : index
      %parallel_loop3A_122 = tpu.vector_load %arg10[%parallel_loop3A_120, %parallel_loop3A_121] {strides = array<i32>} : memref<512x32xf32, #tpu.memory_space<vmem>>, vector<16xf32>,
      %parallel_loop3A_123 = arith.index_cast %parallel_loop3A_119 : i32 to index
      %parallel_loop3A_124 = arith.constant 0 : index
      %parallel_loop3A_125 = tpu.vector_load %arg11[%parallel_loop3A_123, %parallel_loop3A_124] {strides = array<i32>} : memref<512x32xf32, #tpu.memory_space<vmem>>, vector<16xf32>,
      %parallel_loop3A_126 = arith.mulf %parallel_loop3A_122, %parallel_loop3A_125 : vector<16xf32>
      %parallel_loop3A_127 = arith.index_cast %parallel_loop3A_119 : i32 to index
      %parallel_loop3A_128 = arith.constant 16 : index
      %parallel_loop3A_129 = tpu.vector_load %arg10[%parallel_loop3A_127, %parallel_loop3A_128] {strides = array<i32>} : memref<512x32xf32, #tpu.memory_space<vmem>>, vector<16xf32>,
      %parallel_loop3A_130 = arith.index_cast %parallel_loop3A_119 : i32 to index
      %parallel_loop3A_131 = arith.constant 16 : index
      %parallel_loop3A_132 = tpu.vector_load %arg11[%parallel_loop3A_130, %parallel_loop3A_131] {strides = array<i32>} : memref<512x32xf32, #tpu.memory_space<vmem>>, vector<16xf32>,
      %parallel_loop3A_133 = arith.mulf %parallel_loop3A_129, %parallel_loop3A_132 : vector<16xf32>
      %parallel_loop3A_134 = arith.addf %parallel_loop3A_126, %parallel_loop3A_133 : vector<16xf32>
      %parallel_loop3A_135 = vector.broadcast %parallel_loop3A_119 : i32 to vector<16xi32>
      %parallel_loop3A_136 = arith.addi %mul3A_56, %parallel_loop3A_135 : vector<16xi32>
      tpu.vector_store_idx %arg15[%parallel_loop3A_136], %parallel_loop3A_134 : memref<8192xf32, #tpu.memory_space<vmem>>[vector<16xi32>], vector<16xf32>,
      %parallel_loop3A_137 = arith.constant 1 : i32
      %parallel_loop3A_138 = arith.addi %parallel_loop3A_117, %parallel_loop3A_137 : i32
      %parallel_loop3A_139 = arith.index_cast %parallel_loop3A_138 : i32 to index
      %parallel_loop3A_140 = arith.constant 0 : index
      %parallel_loop3A_141 = tpu.vector_load %arg10[%parallel_loop3A_139, %parallel_loop3A_140] {strides = array<i32>} : memref<512x32xf32, #tpu.memory_space<vmem>>, vector<16xf32>,
      %parallel_loop3A_142 = arith.index_cast %parallel_loop3A_138 : i32 to index
      %parallel_loop3A_143 = arith.constant 0 : index
      %parallel_loop3A_144 = tpu.vector_load %arg11[%parallel_loop3A_142, %parallel_loop3A_143] {strides = array<i32>} : memref<512x32xf32, #tpu.memory_space<vmem>>, vector<16xf32>,
      %parallel_loop3A_145 = arith.mulf %parallel_loop3A_141, %parallel_loop3A_144 : vector<16xf32>
      %parallel_loop3A_146 = arith.index_cast %parallel_loop3A_138 : i32 to index
      %parallel_loop3A_147 = arith.constant 16 : index
      %parallel_loop3A_148 = tpu.vector_load %arg10[%parallel_loop3A_146, %parallel_loop3A_147] {strides = array<i32>} : memref<512x32xf32, #tpu.memory_space<vmem>>, vector<16xf32>,
      %parallel_loop3A_149 = arith.index_cast %parallel_loop3A_138 : i32 to index
      %parallel_loop3A_150 = arith.constant 16 : index
      %parallel_loop3A_151 = tpu.vector_load %arg11[%parallel_loop3A_149, %parallel_loop3A_150] {strides = array<i32>} : memref<512x32xf32, #tpu.memory_space<vmem>>, vector<16xf32>,
      %parallel_loop3A_152 = arith.mulf %parallel_loop3A_148, %parallel_loop3A_151 : vector<16xf32>
      %parallel_loop3A_153 = arith.addf %parallel_loop3A_145, %parallel_loop3A_152 : vector<16xf32>
      %parallel_loop3A_154 = vector.broadcast %parallel_loop3A_138 : i32 to vector<16xi32>
      %parallel_loop3A_155 = arith.addi %mul3A_56, %parallel_loop3A_154 : vector<16xi32>
      tpu.vector_store_idx %arg15[%parallel_loop3A_155], %parallel_loop3A_153 : memref<8192xf32, #tpu.memory_space<vmem>>[vector<16xi32>], vector<16xf32>,
    } {sc.loop_unroll_factor = 1 : i64, sc.parallel_access}
    %dma_wait3A_78 = arith.constant 0 : i32
    %dma_wait3A_79 = arith.constant 256 : i32
    %dma_wait3A_80 = arith.constant 0 : i32
    %dma_wait3A_81 = tpu.memref_slice %arg10[%dma_wait3A_79, %dma_wait3A_80] : memref<512x32xf32, #tpu.memory_space<vmem>> -> memref<256x32xf32, #tpu.memory_space<vmem>>
    %dma_wait3A_82 = arith.constant 256 : i32
    %dma_wait3A_83 = tpu.memref_slice %arg9[%dma_wait3A_78, %dma_wait3A_82] : memref<2x512xi32, #tpu.memory_space<vmem>> -> memref<1x256xi32, #tpu.memory_space<vmem>>
    %dma_wait3A_84 = tpu.memref_squeeze %dma_wait3A_83 : memref<1x256xi32, #tpu.memory_space<vmem>> -> memref<256xi32, #tpu.memory_space<vmem>>
    %dma_wait3A_85 = arith.constant 0 : i32
    %dma_wait3A_86 = arith.constant 0 : i32
    %dma_wait3A_87 = tpu.memref_slice %arg3[%dma_wait3A_85, %dma_wait3A_86] : memref<1000000x32xf32, #tpu.memory_space<hbm>> -> memref<1000000x32xf32, #tpu.memory_space<hbm>>
    tpu.wait_indirect_dma semaphore(%arg18 : memref<!tpu.dma_semaphore, #tpu.memory_space<semaphore_mem>>) src(%dma_wait3A_87 : memref<1000000x32xf32, #tpu.memory_space<hbm>>) dst(%dma_wait3A_81 : memref<256x32xf32, #tpu.memory_space<vmem>>)
    %dma_wait3A_88 = arith.constant 1 : i32
    %dma_wait3A_89 = arith.constant 256 : i32
    %dma_wait3A_90 = arith.constant 0 : i32
    %dma_wait3A_91 = tpu.memref_slice %arg11[%dma_wait3A_89, %dma_wait3A_90] : memref<512x32xf32, #tpu.memory_space<vmem>> -> memref<256x32xf32, #tpu.memory_space<vmem>>
    %dma_wait3A_92 = arith.constant 256 : i32
    %dma_wait3A_93 = tpu.memref_slice %arg9[%dma_wait3A_88, %dma_wait3A_92] : memref<2x512xi32, #tpu.memory_space<vmem>> -> memref<1x256xi32, #tpu.memory_space<vmem>>
    %dma_wait3A_94 = tpu.memref_squeeze %dma_wait3A_93 : memref<1x256xi32, #tpu.memory_space<vmem>> -> memref<256xi32, #tpu.memory_space<vmem>>
    %dma_wait3A_95 = arith.constant 0 : i32
    %dma_wait3A_96 = arith.constant 0 : i32
    %dma_wait3A_97 = tpu.memref_slice %arg4[%dma_wait3A_95, %dma_wait3A_96] : memref<1000000x32xf32, #tpu.memory_space<hbm>> -> memref<1000000x32xf32, #tpu.memory_space<hbm>>
    tpu.wait_indirect_dma semaphore(%arg18 : memref<!tpu.dma_semaphore, #tpu.memory_space<semaphore_mem>>) src(%dma_wait3A_97 : memref<1000000x32xf32, #tpu.memory_space<hbm>>) dst(%dma_wait3A_91 : memref<256x32xf32, #tpu.memory_space<vmem>>)
    %parallel_loop3A_98 = arith.constant 256 : i32
    %parallel_loop3A_99 = arith.constant 512 : i32
    %parallel_loop3A_100 = arith.constant 2 : i32
    scf.for %parallel_loop3A_117 = %parallel_loop3A_98 to %parallel_loop3A_99 step %parallel_loop3A_100  : i32 {
      %parallel_loop3A_118 = arith.constant 0 : i32
      %parallel_loop3A_119 = arith.addi %parallel_loop3A_117, %parallel_loop3A_118 : i32
      %parallel_loop3A_120 = arith.index_cast %parallel_loop3A_119 : i32 to index
      %parallel_loop3A_121 = arith.constant 0 : index
      %parallel_loop3A_122 = tpu.vector_load %arg10[%parallel_loop3A_120, %parallel_loop3A_121] {strides = array<i32>} : memref<512x32xf32, #tpu.memory_space<vmem>>, vector<16xf32>,
      %parallel_loop3A_123 = arith.index_cast %parallel_loop3A_119 : i32 to index
      %parallel_loop3A_124 = arith.constant 0 : index
      %parallel_loop3A_125 = tpu.vector_load %arg11[%parallel_loop3A_123, %parallel_loop3A_124] {strides = array<i32>} : memref<512x32xf32, #tpu.memory_space<vmem>>, vector<16xf32>,
      %parallel_loop3A_126 = arith.mulf %parallel_loop3A_122, %parallel_loop3A_125 : vector<16xf32>
      %parallel_loop3A_127 = arith.index_cast %parallel_loop3A_119 : i32 to index
      %parallel_loop3A_128 = arith.constant 16 : index
      %parallel_loop3A_129 = tpu.vector_load %arg10[%parallel_loop3A_127, %parallel_loop3A_128] {strides = array<i32>} : memref<512x32xf32, #tpu.memory_space<vmem>>, vector<16xf32>,
      %parallel_loop3A_130 = arith.index_cast %parallel_loop3A_119 : i32 to index
      %parallel_loop3A_131 = arith.constant 16 : index
      %parallel_loop3A_132 = tpu.vector_load %arg11[%parallel_loop3A_130, %parallel_loop3A_131] {strides = array<i32>} : memref<512x32xf32, #tpu.memory_space<vmem>>, vector<16xf32>,
      %parallel_loop3A_133 = arith.mulf %parallel_loop3A_129, %parallel_loop3A_132 : vector<16xf32>
      %parallel_loop3A_134 = arith.addf %parallel_loop3A_126, %parallel_loop3A_133 : vector<16xf32>
      %parallel_loop3A_135 = vector.broadcast %parallel_loop3A_119 : i32 to vector<16xi32>
      %parallel_loop3A_136 = arith.addi %mul3A_56, %parallel_loop3A_135 : vector<16xi32>
      tpu.vector_store_idx %arg15[%parallel_loop3A_136], %parallel_loop3A_134 : memref<8192xf32, #tpu.memory_space<vmem>>[vector<16xi32>], vector<16xf32>,
      %parallel_loop3A_137 = arith.constant 1 : i32
      %parallel_loop3A_138 = arith.addi %parallel_loop3A_117, %parallel_loop3A_137 : i32
      %parallel_loop3A_139 = arith.index_cast %parallel_loop3A_138 : i32 to index
      %parallel_loop3A_140 = arith.constant 0 : index
      %parallel_loop3A_141 = tpu.vector_load %arg10[%parallel_loop3A_139, %parallel_loop3A_140] {strides = array<i32>} : memref<512x32xf32, #tpu.memory_space<vmem>>, vector<16xf32>,
      %parallel_loop3A_142 = arith.index_cast %parallel_loop3A_138 : i32 to index
      %parallel_loop3A_143 = arith.constant 0 : index
      %parallel_loop3A_144 = tpu.vector_load %arg11[%parallel_loop3A_142, %parallel_loop3A_143] {strides = array<i32>} : memref<512x32xf32, #tpu.memory_space<vmem>>, vector<16xf32>,
      %parallel_loop3A_145 = arith.mulf %parallel_loop3A_141, %parallel_loop3A_144 : vector<16xf32>
      %parallel_loop3A_146 = arith.index_cast %parallel_loop3A_138 : i32 to index
      %parallel_loop3A_147 = arith.constant 16 : index
      %parallel_loop3A_148 = tpu.vector_load %arg10[%parallel_loop3A_146, %parallel_loop3A_147] {strides = array<i32>} : memref<512x32xf32, #tpu.memory_space<vmem>>, vector<16xf32>,
      %parallel_loop3A_149 = arith.index_cast %parallel_loop3A_138 : i32 to index
      %parallel_loop3A_150 = arith.constant 16 : index
      %parallel_loop3A_151 = tpu.vector_load %arg11[%parallel_loop3A_149, %parallel_loop3A_150] {strides = array<i32>} : memref<512x32xf32, #tpu.memory_space<vmem>>, vector<16xf32>,
      %parallel_loop3A_152 = arith.mulf %parallel_loop3A_148, %parallel_loop3A_151 : vector<16xf32>
      %parallel_loop3A_153 = arith.addf %parallel_loop3A_145, %parallel_loop3A_152 : vector<16xf32>
      %parallel_loop3A_154 = vector.broadcast %parallel_loop3A_138 : i32 to vector<16xi32>
      %parallel_loop3A_155 = arith.addi %mul3A_56, %parallel_loop3A_154 : vector<16xi32>
      tpu.vector_store_idx %arg15[%parallel_loop3A_155], %parallel_loop3A_153 : memref<8192xf32, #tpu.memory_space<vmem>>[vector<16xi32>], vector<16xf32>,
    } {sc.loop_unroll_factor = 1 : i64, sc.parallel_access}
    %dma_wait3A_101 = arith.constant 0 : i32
    %dma_wait3A_102 = arith.constant 0 : i32
    %dma_wait3A_103 = tpu.memref_slice %arg9[%dma_wait3A_101, %dma_wait3A_102] : memref<2x512xi32, #tpu.memory_space<vmem>> -> memref<1x512xi32, #tpu.memory_space<vmem>>
    %dma_wait3A_104 = tpu.memref_squeeze %dma_wait3A_103 : memref<1x512xi32, #tpu.memory_space<vmem>> -> memref<512xi32, #tpu.memory_space<vmem>>
    %dma_wait3A_105 = arith.constant 0 : i32
    %dma_wait3A_106 = tpu.memref_slice %arg5[%dma_wait3A_105] : memref<1000000xf32, #tpu.memory_space<hbm>> -> memref<1000000xf32, #tpu.memory_space<hbm>>
    tpu.wait_indirect_dma semaphore(%arg19 : memref<!tpu.dma_semaphore, #tpu.memory_space<semaphore_mem>>) src(%dma_wait3A_106 : memref<1000000xf32, #tpu.memory_space<hbm>>) dst(%arg12 : memref<512xf32, #tpu.memory_space<vmem>>)
    %dma_wait3A_107 = arith.constant 1 : i32
    %dma_wait3A_108 = arith.constant 0 : i32
    %dma_wait3A_109 = tpu.memref_slice %arg9[%dma_wait3A_107, %dma_wait3A_108] : memref<2x512xi32, #tpu.memory_space<vmem>> -> memref<1x512xi32, #tpu.memory_space<vmem>>
    %dma_wait3A_110 = tpu.memref_squeeze %dma_wait3A_109 : memref<1x512xi32, #tpu.memory_space<vmem>> -> memref<512xi32, #tpu.memory_space<vmem>>
    %dma_wait3A_111 = arith.constant 0 : i32
    %dma_wait3A_112 = tpu.memref_slice %arg6[%dma_wait3A_111] : memref<1000000xf32, #tpu.memory_space<hbm>> -> memref<1000000xf32, #tpu.memory_space<hbm>>
    tpu.wait_indirect_dma semaphore(%arg19 : memref<!tpu.dma_semaphore, #tpu.memory_space<semaphore_mem>>) src(%dma_wait3A_112 : memref<1000000xf32, #tpu.memory_space<hbm>>) dst(%arg13 : memref<512xf32, #tpu.memory_space<vmem>>)
    %get3A = arith.constant 0 : index
    %get3A_113 = tpu.vector_load %arg14[%get3A] {strides = array<i32>} : memref<16xf32, #tpu.memory_space<vmem>>, vector<16xf32>,
    %parallel_loop3A_114 = arith.constant 0 : i32
    %parallel_loop3A_115 = arith.constant 512 : i32
    %parallel_loop3A_116 = arith.constant 16 : i32
    scf.for %parallel_loop3A_117 = %parallel_loop3A_114 to %parallel_loop3A_115 step %parallel_loop3A_116  : i32 {
      %parallel_loop3A_118 = arith.index_cast %parallel_loop3A_117 : i32 to index
      %parallel_loop3A_119 = tpu.vector_load %arg12[%parallel_loop3A_118] {strides = array<i32>} : memref<512xf32, #tpu.memory_space<vmem>>, vector<16xf32>,
      %parallel_loop3A_120 = arith.index_cast %parallel_loop3A_117 : i32 to index
      %parallel_loop3A_121 = tpu.vector_load %arg13[%parallel_loop3A_120] {strides = array<i32>} : memref<512xf32, #tpu.memory_space<vmem>>, vector<16xf32>,
      %parallel_loop3A_122 = arith.addf %parallel_loop3A_119, %parallel_loop3A_121 : vector<16xf32>
      %parallel_loop3A_123 = arith.addf %parallel_loop3A_122, %get3A_113 : vector<16xf32>
      %parallel_loop3A_124 = arith.constant 0 : i32
      %parallel_loop3A_125 = arith.addi %parallel_loop3A_124, %parallel_loop3A_117 : i32
      %parallel_loop3A_126 = arith.index_cast %parallel_loop3A_125 : i32 to index
      %parallel_loop3A_127 = tpu.vector_load %arg15[%parallel_loop3A_126] {strides = array<i32>} : memref<8192xf32, #tpu.memory_space<vmem>>, vector<16xf32>,
      %parallel_loop3A_128 = arith.addf %parallel_loop3A_123, %parallel_loop3A_127 : vector<16xf32>
      %parallel_loop3A_129 = arith.constant 512 : i32
      %parallel_loop3A_130 = arith.addi %parallel_loop3A_129, %parallel_loop3A_117 : i32
      %parallel_loop3A_131 = arith.index_cast %parallel_loop3A_130 : i32 to index
      %parallel_loop3A_132 = tpu.vector_load %arg15[%parallel_loop3A_131] {strides = array<i32>} : memref<8192xf32, #tpu.memory_space<vmem>>, vector<16xf32>,
      %parallel_loop3A_133 = arith.addf %parallel_loop3A_128, %parallel_loop3A_132 : vector<16xf32>
      %parallel_loop3A_134 = arith.constant 1024 : i32
      %parallel_loop3A_135 = arith.addi %parallel_loop3A_134, %parallel_loop3A_117 : i32
      %parallel_loop3A_136 = arith.index_cast %parallel_loop3A_135 : i32 to index
      %parallel_loop3A_137 = tpu.vector_load %arg15[%parallel_loop3A_136] {strides = array<i32>} : memref<8192xf32, #tpu.memory_space<vmem>>, vector<16xf32>,
      %parallel_loop3A_138 = arith.addf %parallel_loop3A_133, %parallel_loop3A_137 : vector<16xf32>
      %parallel_loop3A_139 = arith.constant 1536 : i32
      %parallel_loop3A_140 = arith.addi %parallel_loop3A_139, %parallel_loop3A_117 : i32
      %parallel_loop3A_141 = arith.index_cast %parallel_loop3A_140 : i32 to index
      %parallel_loop3A_142 = tpu.vector_load %arg15[%parallel_loop3A_141] {strides = array<i32>} : memref<8192xf32, #tpu.memory_space<vmem>>, vector<16xf32>,
      %parallel_loop3A_143 = arith.addf %parallel_loop3A_138, %parallel_loop3A_142 : vector<16xf32>
      %parallel_loop3A_144 = arith.constant 2048 : i32
      %parallel_loop3A_145 = arith.addi %parallel_loop3A_144, %parallel_loop3A_117 : i32
      %parallel_loop3A_146 = arith.index_cast %parallel_loop3A_145 : i32 to index
      %parallel_loop3A_147 = tpu.vector_load %arg15[%parallel_loop3A_146] {strides = array<i32>} : memref<8192xf32, #tpu.memory_space<vmem>>, vector<16xf32>,
      %parallel_loop3A_148 = arith.addf %parallel_loop3A_143, %parallel_loop3A_147 : vector<16xf32>
      %parallel_loop3A_149 = arith.constant 2560 : i32
      %parallel_loop3A_150 = arith.addi %parallel_loop3A_149, %parallel_loop3A_117 : i32
      %parallel_loop3A_151 = arith.index_cast %parallel_loop3A_150 : i32 to index
      %parallel_loop3A_152 = tpu.vector_load %arg15[%parallel_loop3A_151] {strides = array<i32>} : memref<8192xf32, #tpu.memory_space<vmem>>, vector<16xf32>,
      %parallel_loop3A_153 = arith.addf %parallel_loop3A_148, %parallel_loop3A_152 : vector<16xf32>
      %parallel_loop3A_154 = arith.constant 3072 : i32
      %parallel_loop3A_155 = arith.addi %parallel_loop3A_154, %parallel_loop3A_117 : i32
      %parallel_loop3A_156 = arith.index_cast %parallel_loop3A_155 : i32 to index
      %parallel_loop3A_157 = tpu.vector_load %arg15[%parallel_loop3A_156] {strides = array<i32>} : memref<8192xf32, #tpu.memory_space<vmem>>, vector<16xf32>,
      %parallel_loop3A_158 = arith.addf %parallel_loop3A_153, %parallel_loop3A_157 : vector<16xf32>
      %parallel_loop3A_159 = arith.constant 3584 : i32
      %parallel_loop3A_160 = arith.addi %parallel_loop3A_159, %parallel_loop3A_117 : i32
      %parallel_loop3A_161 = arith.index_cast %parallel_loop3A_160 : i32 to index
      %parallel_loop3A_162 = tpu.vector_load %arg15[%parallel_loop3A_161] {strides = array<i32>} : memref<8192xf32, #tpu.memory_space<vmem>>, vector<16xf32>,
      %parallel_loop3A_163 = arith.addf %parallel_loop3A_158, %parallel_loop3A_162 : vector<16xf32>
      %parallel_loop3A_164 = arith.constant 4096 : i32
      %parallel_loop3A_165 = arith.addi %parallel_loop3A_164, %parallel_loop3A_117 : i32
      %parallel_loop3A_166 = arith.index_cast %parallel_loop3A_165 : i32 to index
      %parallel_loop3A_167 = tpu.vector_load %arg15[%parallel_loop3A_166] {strides = array<i32>} : memref<8192xf32, #tpu.memory_space<vmem>>, vector<16xf32>,
      %parallel_loop3A_168 = arith.addf %parallel_loop3A_163, %parallel_loop3A_167 : vector<16xf32>
      %parallel_loop3A_169 = arith.constant 4608 : i32
      %parallel_loop3A_170 = arith.addi %parallel_loop3A_169, %parallel_loop3A_117 : i32
      %parallel_loop3A_171 = arith.index_cast %parallel_loop3A_170 : i32 to index
      %parallel_loop3A_172 = tpu.vector_load %arg15[%parallel_loop3A_171] {strides = array<i32>} : memref<8192xf32, #tpu.memory_space<vmem>>, vector<16xf32>,
      %parallel_loop3A_173 = arith.addf %parallel_loop3A_168, %parallel_loop3A_172 : vector<16xf32>
      %parallel_loop3A_174 = arith.constant 5120 : i32
      %parallel_loop3A_175 = arith.addi %parallel_loop3A_174, %parallel_loop3A_117 : i32
      %parallel_loop3A_176 = arith.index_cast %parallel_loop3A_175 : i32 to index
      %parallel_loop3A_177 = tpu.vector_load %arg15[%parallel_loop3A_176] {strides = array<i32>} : memref<8192xf32, #tpu.memory_space<vmem>>, vector<16xf32>,
      %parallel_loop3A_178 = arith.addf %parallel_loop3A_173, %parallel_loop3A_177 : vector<16xf32>
      %parallel_loop3A_179 = arith.constant 5632 : i32
      %parallel_loop3A_180 = arith.addi %parallel_loop3A_179, %parallel_loop3A_117 : i32
      %parallel_loop3A_181 = arith.index_cast %parallel_loop3A_180 : i32 to index
      %parallel_loop3A_182 = tpu.vector_load %arg15[%parallel_loop3A_181] {strides = array<i32>} : memref<8192xf32, #tpu.memory_space<vmem>>, vector<16xf32>,
      %parallel_loop3A_183 = arith.addf %parallel_loop3A_178, %parallel_loop3A_182 : vector<16xf32>
      %parallel_loop3A_184 = arith.constant 6144 : i32
      %parallel_loop3A_185 = arith.addi %parallel_loop3A_184, %parallel_loop3A_117 : i32
      %parallel_loop3A_186 = arith.index_cast %parallel_loop3A_185 : i32 to index
      %parallel_loop3A_187 = tpu.vector_load %arg15[%parallel_loop3A_186] {strides = array<i32>} : memref<8192xf32, #tpu.memory_space<vmem>>, vector<16xf32>,
      %parallel_loop3A_188 = arith.addf %parallel_loop3A_183, %parallel_loop3A_187 : vector<16xf32>
      %parallel_loop3A_189 = arith.constant 6656 : i32
      %parallel_loop3A_190 = arith.addi %parallel_loop3A_189, %parallel_loop3A_117 : i32
      %parallel_loop3A_191 = arith.index_cast %parallel_loop3A_190 : i32 to index
      %parallel_loop3A_192 = tpu.vector_load %arg15[%parallel_loop3A_191] {strides = array<i32>} : memref<8192xf32, #tpu.memory_space<vmem>>, vector<16xf32>,
      %parallel_loop3A_193 = arith.addf %parallel_loop3A_188, %parallel_loop3A_192 : vector<16xf32>
      %parallel_loop3A_194 = arith.constant 7168 : i32
      %parallel_loop3A_195 = arith.addi %parallel_loop3A_194, %parallel_loop3A_117 : i32
      %parallel_loop3A_196 = arith.index_cast %parallel_loop3A_195 : i32 to index
      %parallel_loop3A_197 = tpu.vector_load %arg15[%parallel_loop3A_196] {strides = array<i32>} : memref<8192xf32, #tpu.memory_space<vmem>>, vector<16xf32>,
      %parallel_loop3A_198 = arith.addf %parallel_loop3A_193, %parallel_loop3A_197 : vector<16xf32>
      %parallel_loop3A_199 = arith.constant 7680 : i32
      %parallel_loop3A_200 = arith.addi %parallel_loop3A_199, %parallel_loop3A_117 : i32
      %parallel_loop3A_201 = arith.index_cast %parallel_loop3A_200 : i32 to index
      %parallel_loop3A_202 = tpu.vector_load %arg15[%parallel_loop3A_201] {strides = array<i32>} : memref<8192xf32, #tpu.memory_space<vmem>>, vector<16xf32>,
      %parallel_loop3A_203 = arith.addf %parallel_loop3A_198, %parallel_loop3A_202 : vector<16xf32>
      %parallel_loop3A_204 = arith.index_cast %parallel_loop3A_117 : i32 to index
      %parallel_loop3A_205 = tpu.vector_load %arg16[%parallel_loop3A_204] {strides = array<i32>} : memref<512xf32, #tpu.memory_space<vmem>>, vector<16xf32>,
      tpu.vector_store %arg16[%parallel_loop3A_204], %parallel_loop3A_203 {strides = array<i32>} : memref<512xf32, #tpu.memory_space<vmem>>, vector<16xf32>,
    } {sc.loop_unroll_factor = 1 : i64, sc.parallel_access}
    "tpu.region"() ({
      %run_scoped3A = tpu.sem_alloc : memref<!tpu.dma_semaphore, #tpu.memory_space<semaphore_mem>>
      %dma_start3A_117 = tpu.memref_slice %arg8[%mul3A_2] : memref<16384xf32, #tpu.memory_space<hbm>> -> memref<512xf32, #tpu.memory_space<hbm>>
      %dma_start3A_118 = tpu.memref_slice %arg8[%mul3A_2] : memref<16384xf32, #tpu.memory_space<hbm>> -> memref<512xf32, #tpu.memory_space<hbm>>
      tpu.enqueue_dma source(%arg16 : memref<512xf32, #tpu.memory_space<vmem>>) target(%dma_start3A_118 : memref<512xf32, #tpu.memory_space<hbm>>) target_semaphore(%run_scoped3A : memref<!tpu.dma_semaphore, #tpu.memory_space<semaphore_mem>>)
      %dma_wait3A_119 = tpu.memref_slice %arg8[%mul3A_2] : memref<16384xf32, #tpu.memory_space<hbm>> -> memref<512xf32, #tpu.memory_space<hbm>>
      %dma_wait3A_120 = tpu.memref_slice %arg8[%mul3A_2] : memref<16384xf32, #tpu.memory_space<hbm>> -> memref<512xf32, #tpu.memory_space<hbm>>
      tpu.wait_dma2 semaphore(%run_scoped3A : memref<!tpu.dma_semaphore, #tpu.memory_space<semaphore_mem>>) src(%arg16 : memref<512xf32, #tpu.memory_space<vmem>>) dst(%dma_wait3A_120 : memref<512xf32, #tpu.memory_space<hbm>>)
      tpu.yield
    }) : () -> ()
    return
  }
}

</mosaic_0001>

<sc_bundles>
// kernel: kernel.3.cloned.1.call-start
scs
__scs_entry_jumppad:
0x0: {  	(pc) =	sbr.rel $0x88, $3  }
0x1: {  	(tag) =	ssettag $0x0;
	lr =	simm.s32 $0x1  }
0x2: {  	[smem:$0x3F9B] =	sst lr;
	_ =	strace $0xD0000000  }
0x3: {  	_ = 	snop  }
0x4: {  	_ = 	snop  }
0x5: {  	_ = 	snop  }
0x6: {  	_ = 	snop  }
0x7: {  	_ = 	snop  }
__scs_overlays_trampoline_lowered:
0x8: {  	[smem:$0x3FAA] =	sst s0  }
0x9: {  	[smem:$0x3FAB] =	sst s1  }
0xa: {  	[smem:$0x3FAC] =	sst s2  }
0xb: {  	[smem:$0x3FAD] =	sst s3  }
0xc: {  	[smem:$0x3FAE] =	sst s4  }
0xd: {  	[smem:$0x3FAF] =	sst s5  }
0xe: {  	[smem:$0x3FB0] =	sst s6  }
0xf: {  	[smem:$0x3FB1] =	sst s7  }
0x10: {  	[smem:$0x3FB2] =	sst s8  }
0x11: {  	[smem:$0x3FB3] =	sst s9;
	s0 =	simm.s32 @!p0 $0x0  }
0x12: {  	s1 =	sld [smem:$0x3F99];
	s0 =	simm.s32 @p0 $0x1  }
0x13: {  	[smem:$0x3FB4] =	sst s0;
	s0 =	simm.s32 @!p1 $0x0  }
0x14: {  	s2 =	sld [smem:$0x3F98];
	s0 =	simm.s32 @p1 $0x1  }
0x15: {  	[smem:$0x3FB5] =	sst s0;
	s0 =	simm.s32 @!p2 $0x0  }
0x16: {  	s3 =	sld [smem:$0x3FDB];
	s0 =	simm.s32 @p2 $0x1  }
0x17: {  	s4 =	simm.s32 $0x1BF5;
	[smem:$0x3FB7] =	sst s0  }
0x18: {  	s0 =	sld [smem:$0x3F9A];
	_ =	swait.ge [sflag:s4], $0x0  }
0x19: {  	s7 =	sld [smem:$0x3F9B]  }
0x1a: {  	s8 =	sadd.s32 $0xFFFFE003, lr  }
0x1b: {  	s9 =	sadd.s32 $0xFFFFFEF7, lr;
	s5 =	simm.s32 $0xFFFFFFFF;
	p2 =	slt.u32 s8, $0xFFFFF086  }
0x1c: {  	p1 =	slt.u32 s9, $0xF7A;
	s5 =	simm.s32 @!p2 $0x0  }
0x1d: {  	s5 =	simm.s32 @p1 $0x1;
	p0 =	seq.s32 s7, s2  }
0x1e: {  	s7 =	smul.u32 @!p0 $0xF7A, s2;
	p2 =	seq.s32 @!p0 s5, $0x0  }
0x1f: {  	s9 =	smul.u32 $0xF7A, s1;
	s8 =	simm.s32 @!p0 $0x1BF5;
	p2 =	por !p2, p0  }
0x20: {  	[sflag:s8] =	ssyncset.s32 @!p0 $0xFFFFF086;
	s6 =	sadd.s32 @!p0 s3, s7;
	s7 =	simm.s32 @!p0 $0x108  }
0x21: {  	s3 =	sadd.s32 s3, s9;
	s6 =	sadd.s32 @!p0 $0x88, s6;
	s7 =	simm.s32 @p2 $0x1082  }
0x22: {  	[simem:s7], [sflag:s8] =	dma.local @!p0 [hbm:s6], $0xF7A  }
0x23: {  	s9 =	sor.u32 $0xD0000000, s2;
	s6 =	simm.s32 $0x108;
	_ =	swait.ge @!p0 [sflag:s8], $0x0  }
0x24: {  	s3 =	sadd.s32 $0x88, s3;
	s6 =	simm.s32 @!p1 $0x1082;
	[sflag:s4] =	ssyncset.s32 $0xFFFFF086  }
0x25: {  	[simem:s6], [sflag:s4] =	dma.local [hbm:s3], $0xF7A  }
0x26: {  	[smem:$0x3F9B] =	sst s1;
	(tag) =	ssettag s2;
	_ =	strace s9  }
0x27: {  	s1 =	sld [smem:$0x3FAB]  }
0x28: {  	s2 =	sld [smem:$0x3FAC]  }
0x29: {  	s4 =	sld [smem:$0x3FAE]  }
0x2a: {  	p0 =	seq.s32 s5, $0x0;
	s5 =	sld [smem:$0x3FAF]  }
0x2b: {  	s6 =	sld [smem:$0x3FB0]  }
0x2c: {  	s7 =	sld [smem:$0x3FB1]  }
0x2d: {  	s3 =	simm.s32 $0x108;
	s8 =	sld [smem:$0x3FB2]  }
0x2e: {  	s3 =	simm.s32 @!p0 $0x1082;
	s9 =	sld [smem:$0x3FB3]  }
0x2f: {  	lr =	sadd.s32 s0, s3;
	s0 =	sld [smem:$0x3FAA]  }
0x30: {  	s3 =	sld [smem:$0x3FAD]  }
0x31: {  	[smem:$0x3FB6] =	sst s10  }
0x32: {  	s10 =	sld [smem:$0x3FB4];
	_ =	sdelay $0x3  }
0x33: {  	p0 =	seq.s32 s10, $0x1;
	s10 =	sld [smem:$0x3FB6];
	_ =	sdelay $0x3  }
0x34: {  	[smem:$0x3FB6] =	sst s10  }
0x35: {  	s10 =	sld [smem:$0x3FB5];
	_ =	sdelay $0x3  }
0x36: {  	p1 =	seq.s32 s10, $0x1;
	s10 =	sld [smem:$0x3FB6];
	_ =	sdelay $0x3  }
0x37: {  	[smem:$0x3FB6] =	sst s10  }
0x38: {  	s10 =	sld [smem:$0x3FB7]  }
0x39: {  	_ = 	snop;
	(pc) =	sbr.ind lr, $3  }
0x3a: {  	_ = 	snop  }
0x3b: {  	_ = 	snop  }
0x3c: {  	p2 =	seq.s32 s10, $0x1;
	s10 =	sld [smem:$0x3FB6]  }
0x3d: {  	_ =	shalt  }
0x3e: {  	_ =	shalt  }
0x3f: {  	_ =	shalt  }
0x40: {  	_ =	shalt  }
0x41: {  	_ =	shalt  }
0x42: {  	_ =	shalt  }
0x43: {  	_ =	shalt  }
0x44: {  	_ =	shalt  }
0x45: {  	_ =	shalt  }
0x46: {  	_ =	shalt  }
0x47: {  	_ =	shalt  }
0x48: {  	_ =	shalt  }
0x49: {  	_ =	shalt  }
0x4a: {  	_ =	shalt  }
0x4b: {  	_ =	shalt  }
0x4c: {  	_ =	shalt  }
0x4d: {  	_ =	shalt  }
0x4e: {  	_ =	shalt  }
0x4f: {  	_ =	shalt  }
0x50: {  	_ =	shalt  }
0x51: {  	_ =	shalt  }
0x52: {  	_ =	shalt  }
0x53: {  	_ =	shalt  }
0x54: {  	_ =	shalt  }
0x55: {  	_ =	shalt  }
0x56: {  	_ =	shalt  }
0x57: {  	_ =	shalt  }
0x58: {  	_ =	shalt  }
0x59: {  	_ =	shalt  }
0x5a: {  	_ =	shalt  }
0x5b: {  	_ =	shalt  }
0x5c: {  	_ =	shalt  }
0x5d: {  	_ =	shalt  }
0x5e: {  	_ =	shalt  }
0x5f: {  	_ =	shalt  }
0x60: {  	_ =	shalt  }
0x61: {  	_ =	shalt  }
0x62: {  	_ =	shalt  }
0x63: {  	_ =	shalt  }
0x64: {  	_ =	shalt  }
0x65: {  	_ =	shalt  }
0x66: {  	_ =	shalt  }
0x67: {  	_ =	shalt  }
0x68: {  	_ =	shalt  }
0x69: {  	_ =	shalt  }
0x6a: {  	_ =	shalt  }
0x6b: {  	_ =	shalt  }
0x6c: {  	_ =	shalt  }
0x6d: {  	_ =	shalt  }
0x6e: {  	_ =	shalt  }
0x6f: {  	_ =	shalt  }
0x70: {  	_ =	shalt  }
0x71: {  	_ =	shalt  }
0x72: {  	_ =	shalt  }
0x73: {  	_ =	shalt  }
0x74: {  	_ =	shalt  }
0x75: {  	_ =	shalt  }
0x76: {  	_ =	shalt  }
0x77: {  	_ =	shalt  }
0x78: {  	_ =	shalt  }
0x79: {  	_ =	shalt  }
0x7a: {  	_ =	shalt  }
0x7b: {  	_ =	shalt  }
0x7c: {  	_ =	shalt  }
0x7d: {  	_ =	shalt  }
0x7e: {  	_ =	shalt  }
0x7f: {  	_ =	shalt  }
0x80: {  	_ =	shalt  }
0x81: {  	_ =	shalt  }
0x82: {  	_ =	shalt  }
0x83: {  	_ =	shalt  }
0x84: {  	_ =	shalt  }
0x85: {  	_ =	shalt  }
0x86: {  	_ =	shalt  }
0x87: {  	_ =	shalt  }
.Lfunc_end0:
.L_simem_size_0:
called_computation_lowered:
.L_overlay_start_0:
0x88: {  	s2 =	sld [smem:$0x3FD9]  }
0x89: {  	s3 =	sld [smem:$0x3FFE];
	_ =	sdelay $0x1  }
0x8a: {  	s1 =	srdreg.scid  }
0x8b: {  	s0 =	sand.u32 $0x1, s1  }
0x8c: {  	s17 =	sshll.u32 s0, $0xA;
	s2 =	sadd.s32 s3, s2  }
0x8d: {  	s2 =	sadd.s32 s2, s17  }
0x8e: {  	[smem:$0x3FC2] =	sst s2  }
0x8f: {  	_ = 	snop  }
0x90: {  	s2 =	sld [smem:$0x3FC8]  }
0x91: {  	s18 =	sld [smem:$0x3FC7]  }
0x92: {  	s4 =	sld [smem:$0x3FC6]  }
0x93: {  	s5 =	sld [smem:$0x3FC5]  }
0x94: {  	s6 =	sld [smem:$0x3FD0];
	(tm) =	ssettm $0x1  }
0x95: {  	s7 =	sld [smem:$0x3FFB];
	_ =	sdelay $0x3  }
0x96: {  	_ =	strace s7  }
0x97: {  	s7 =	sld [smem:$0x3FFC];
	_ =	sdelay $0x3  }
0x98: {  	_ =	strace s7  }
0x99: {  	s7 =	sld [smem:$0x3FFD];
	_ =	sdelay $0x3  }
0x9a: {  	_ =	strace s7  }
0x9b: {  	_ =	strace $0x8FFFFFFF  }
0x9c: {  	s19 =	sld [smem:$0x3FDB];
	_ =	sdelay $0x1  }
0x9d: {  	s8 =	simm.s32 $_scs_section_size  }
0x9e: {  	s9 =	simm.s32 $_size__tile_overlayer_lowered;
	s10 =	simm.s32 $_tile_overlayer_lowered  }
0x9f: {  	s22 =	simm.s32 $0x1BFF;
	s21 =	sshll.u32 s10, $0x1;
	s7 =	sadd.s32 s8, s19  }
0xa0: {  	s11 =	simm.s32 $0x0;
	s20 =	sshll.u32 s9, $0x1;
	s9 =	sadd.s32 s21, s7  }
0xa1: {  	[timem:s11], [sflag:s22] =	dma.local [hbm:s9], s20  }
0xa2: {  	_ =	swait.ge [sflag:s22], s20  }
0xa3: {  	s8 =	ssub.s32 $0x0, s20;
	[sflag:s22] =	ssyncset.done $0x0  }
0xa4: {  	[sflag:s22] =	ssyncadd.s32 s8;
	_ =	sdelay $0x1  }
0xa5: {  	s23 =	simm.s32 $0x1B8B  }
0xa6: {  	_ =	swait.ge [sflag:s23], $0x1  }
0xa7: {  	[sflag:s23] =	ssyncset.done $0x0  }
0xa8: {  	s25 =	simm.s32 $0x1B8E;
	s24 =	sld [smem:$0x3FFE];
	[sflag:s23] =	ssyncadd.s32 $0xFFFFFFFF  }
0xa9: {  	s26 =	simm.s32 $execute0_lowered;
	[smem:$0x3FD2] =	sst s25  }
0xaa: {  	s9 =	sshll.u32 s26, $0x1;
	_ =	strace $0x80000046;
	[dreg:$0x1] =	wrdreg $0xFFFFFFFF  }
0xab: {  	s28 =	simm.s32 $_size_execute0_lowered;
	s7 =	sadd.s32 s7, s9;
	[dreg:$0x0] =	wrdreg $0x0  }
0xac: {  	s9 =	sshll.u32 s28, $0x1;
	[dreg:$0x2] =	wrdreg s7  }
0xad: {  	[dreg:$0x3] =	wrdreg s9  }
0xae: {  	[dreg:$0x4] =	wrdreg $0xC0  }
0xaf: {  	_ =	task [dreg:s11], $0x5FFFF  }
0xb0: {  	[dreg:$0x1] =	wrdreg $0xFFFFFFFF  }
0xb1: {  	[dreg:$0x0] =	wrdreg $0x60  }
0xb2: {  	[dreg:$0x2] =	wrdreg s24  }
0xb3: {  	[dreg:$0x3] =	wrdreg s2  }
0xb4: {  	[dreg:$0x4] =	wrdreg s18  }
0xb5: {  	[dreg:$0x5] =	wrdreg s4  }
0xb6: {  	[dreg:$0x6] =	wrdreg s5  }
0xb7: {  	[dreg:$0x7] =	wrdreg s6  }
0xb8: {  	[dreg:$0x8] =	wrdreg $0x9  }
0xb9: {  	_ =	task.clear_ibuf [dreg:s11], $0x9FFFF;
	_ =	strace $0x90000046  }
0xba: {  	s29 =	simm.s32 $0x9;
	_ =	strace $0x80000048  }
0xbb: {  	_ =	swait.ge [sflag:s29], $0x1  }
0xbc: {  	[sflag:s29] =	ssyncadd.s32 $0xFFFFFFFF  }
0xbd: {  	_ =	strace $0x90000048  }
0xbe: {  	_ =	sfence  }
0xbf: {  	s30 =	sld [smem:$0x0];
	_ =	sdelay $0x2  }
0xc0: {  	s31 =	sshll.u32 s1, $0xD;
	s1 =	sshrl.u32 s1, $0x2  }
0xc1: {  	s3 =	sand.u32 $0x4000, s31;
	s1 =	sadd.s32 s1, s30  }
0xc2: {  	s0 =	sor.u32 s3, s0;
	s1 =	sshll.u32 s1, $0x11  }
0xc3: {  	s0 =	sor.u32 s1, s0  }
0xc4: {  	s0 =	sadd.s32 $0x8F2B, s0  }
0xc5: {  	[sflag:s0] =	ssyncadd.remote.s32 $0x1  }
0xc6: {  	_ =	sfence.sel $0xFFFF  }
0xc7: {  	[dreg:$0x0] =	wrdreg $0xFFFFFFFF;
	(pc) =	sbr.abs _section_cstart, $3  }
0xc8: {  	[dreg:$0x1] =	wrdreg $0xFFFFFFFF  }
0xc9: {  	_ =	task.clear_ibuf [dreg:s11], $0x2FFFF;
	_ =	strace $0x9FFFFFFF  }
0xca: {  	(tm) =	ssettm $0x7FFFFFFF  }
0xcb: {  	_ =	shalt  }
tec
execute0_lowered:
.L_overlay_start_1:
0x0: {  	(tag) =	ssettag $0x1  }
0x1: {  	s0 =	rddreg [dreg:$0x0]  }
0x2: {  	s1 =	rddreg [dreg:$0x1]  }
0x3: {  	s2 =	rddreg [dreg:$0x2]  }
0x4: {  	s3 =	rddreg [dreg:$0x5]  }
0x5: {  	s4 =	srdreg.scid;
	s5 =	stileid.u32;
	s6 =	simm.s32 $0x0  }
0x6: {  	s13 =	simm.s32 $0x200;
	s14 =	simm.s32 $0x4;
	s15 =	simm.s32 $0x100  }
0x7: {  	s19 =	simm.s32 $0x300;
	s25 =	simm.s32 $0x1;
	s28 =	simm.s32 $0x2  }
0x8: {  	s29 =	simm.s32 $0x3;
	s4 =	sand.u32 $0x1, s4;
	s5 =	sshll.u32 s5, $0x1  }
0x9: {  	s31 =	simm.s32 $0x0;
	[smem:$0x7FF] =	sst s6;
	s5 =	sor.u32 s4, s5  }
0xa: {  	s4 =	ssub.s32 $0x2, s4;
	_ =	strace $0x80000047;
	s7 =	sshll.u32 s5, $0x7  }
0xb: {  	s8 =	sshrl.u32 s4, $0x1;
	s30 =	sshll.u32 s5, $0x6;
	s12 =	sadd.s32 s7, s0  }
0xc: {  	s7 =	sadd.s32 $0x1400, s0;
	s26 =	ssub.s32 s4, s8;
	s10 =	sadd.s32 s3, s30  }
0xd: {  	v0 =	vlaneseq.u32;
	s8 =	sadd.s32 $0x400, s12;
	s9 =	sadd.s32 $0x420, s12;
	s11 =	smax.u32 s26, $0x1  }
0xe: {  	v0 =	vmul.u32 $0x200, v0;
	s12 =	sadd.s32 $0x440, s12;
	s26 =	simm.s32 $0x8810;
	s18 =	sadd.s32 $0x40, s9  }
.LBB2_1:
0xf: {  	[tilespmem:s6], [sflag:$0x4] =	stream.linear.gather [hbm4b:s8+s6], $0x100, $0x38;
	[tilespmem:$0xAA10] =	vst v63  }
0x10: {  	_ = 	snop  }
0x11: {  	[tilespmem:s13], [sflag:$0x4] =	stream.linear.gather [hbm4b:s12+s6], $0x100, $0x38;
	[tilespmem:$0xAA10] =	vst v63  }
0x12: {  	_ =	swait.ge [sflag:s14], $0x200  }
0x13: {  	[sflag:s14] =	ssyncset.done $0x0  }
0x14: {  	s0 =	simm.s32 $0x400;
	[sflag:s14] =	ssyncadd.s32 $0xFFFFFE00  }
0x15: {  	[tilespmem:s0], [sflag:$0x1] =	stream.indirect.gather [hbm4b:s1+s15], $0x20, s6, s15, $0xb8;
	[tilespmem:$0xAA10] =	vst v63  }
0x16: {  	s17 =	simm.s32 $0x4400  }
0x17: {  	[tilespmem:s17], [sflag:$0x1] =	stream.indirect.gather [hbm4b:s2+s15], $0x20, s13, s15, $0xb8;
	[tilespmem:$0xAA10] =	vst v63  }
0x18: {  	_ = 	snop  }
0x19: {  	[tilespmem:s15], [sflag:$0x4] =	stream.linear.gather [hbm4b:s9+s6], $0x100, $0x38;
	[tilespmem:$0xAA10] =	vst v63  }
0x1a: {  	_ = 	snop  }
0x1b: {  	[tilespmem:s19], [sflag:$0x4] =	stream.linear.gather [hbm4b:s18+s6], $0x100, $0x38;
	[tilespmem:$0xAA10] =	vst v63  }
0x1c: {  	_ =	swait.ge [sflag:s14], $0x200  }
0x1d: {  	[sflag:s14] =	ssyncset.done $0x0  }
0x1e: {  	s20 =	simm.s32 $0x2400;
	[sflag:s14] =	ssyncadd.s32 $0xFFFFFE00  }
0x1f: {  	[tilespmem:s20], [sflag:$0x2] =	stream.indirect.gather [hbm4b:s1+s15], $0x20, s15, s15, $0xb8;
	[tilespmem:$0xAA10] =	vst v63  }
0x20: {  	s21 =	simm.s32 $0x6400  }
0x21: {  	[tilespmem:s21], [sflag:$0x2] =	stream.indirect.gather [hbm4b:s2+s15], $0x20, s19, s15, $0xb8;
	[tilespmem:$0xAA10] =	vst v63  }
0x22: {  	s3 =	simm.s32 $0x8400;
	s22 =	rddreg [dreg:$0x3]  }
0x23: {  	[tilespmem:s3], [sflag:$0x3] =	stream.indirect.gather [hbm4b:s22+s13], $0x1, s6, s13, $0xb8;
	[tilespmem:$0xAA10] =	vst v63  }
0x24: {  	s24 =	simm.s32 $0x8600;
	s23 =	rddreg [dreg:$0x4]  }
0x25: {  	[tilespmem:s24], [sflag:$0x3] =	stream.indirect.gather [hbm4b:s23+s13], $0x1, s13, s13, $0xb8;
	[tilespmem:$0xAA10] =	vst v63  }
0x26: {  	s30 =	simm.s32 $0x8800  }
0x27: {  	[tilespmem:s30], [sflag:$0x4] =	stream.linear.gather [hbm4b:s7+s6], $0x10, $0x38;
	[tilespmem:$0xAA10] =	vst v63  }
0x28: {  	_ =	swait.ge [sflag:s14], $0x10  }
0x29: {  	[sflag:s14] =	ssyncset.done $0x0  }
0x2a: {  	[sflag:s14] =	ssyncadd.s32 $0xFFFFFFF0  }
0x2b: {  	_ =	swait.ge [sflag:s25], $0x2000  }
0x2c: {  	[sflag:s25] =	ssyncset.done $0x0  }
0x2d: {  	[sflag:s25] =	ssyncadd.s32 $0xFFFFE000  }
0x2e: {  	_ =	swait.ge [sflag:s25], $0x2000  }
0x2f: {  	[sflag:s25] =	ssyncset.done $0x0  }
0x30: {  	s5 =	simm.s32 $0x4420;
	[sflag:s25] =	ssyncadd.s32 $0xFFFFE000  }
0x31: {  	s20 =	simm.s32 $0x420;
	v1 =	vld [tilespmem:s5+$0xFFFFFFE0]  }
0x32: {  	v2 =	vld [tilespmem:s20+$0xFFFFFFF0]  }
0x33: {  	v3 =	vld [tilespmem:s5+$0xFFFFFFF0]  }
0x34: {  	v4 =	vld [tilespmem:s20+$0xFFFFFFE0]  }
0x35: {  	s3 =	simm.s32 $0x4460  }
0x36: {  	s0 =	simm.s32 $0x460;
	v6 =	vld [tilespmem:s3+$0xFFFFFFE0]  }
0x37: {  	v7 =	vld [tilespmem:s0+$0xFFFFFFE0]  }
0x38: {  	v5 =	vor.u32 s6, v0;
	v2 =	vmul.f32 v3, v2;
	v3 =	vld [tilespmem:s0+$0xFFFFFFF0]  }
0x39: {  	v1 =	vmul.f32 v1, v4;
	v4 =	vld [tilespmem:s3+$0xFFFFFFF0]  }
0x3a: {  	s16 =	simm.s32 $0x44A0  }
0x3b: {  	v9 =	vld [tilespmem:s16+$0xFFFFFFE0];
	v1 =	vadd.f32 v2, v1  }
0x3c: {  	s4 =	simm.s32 $0x2;
	s17 =	simm.s32 $0x4A0;
	v8 =	vld [tilespmem:s16+$0xFFFFFFF0]  }
0x3d: {  	v6 =	vmul.f32 v6, v7;
	v7 =	vld [tilespmem:s17+$0xFFFFFFE0];
	[tilespmem:v5+s26+$0x0] =	vst.idx.msk $0xffff, v1;
	v5 =	vor.u32 s4, v0  }
0x3e: {  	v1 =	vld [tilespmem:s20+$0x10];
	v3 =	vmul.f32 v4, v3  }
0x3f: {  	v2 =	vld [tilespmem:s5+$0x0]  }
0x40: {  	v4 =	vld [tilespmem:s17+$0xFFFFFFF0];
	v6 =	vadd.f32 v3, v6  }
0x41: {  	v3 =	vld [tilespmem:s5+$0x10]  }
0x42: {  	s21 =	simm.s32 $0x44A0;
	s22 =	simm.s32 $0x4A0;
	[tilespmem:v5+s26+$0x0] =	vst.idx.msk $0xffff, v6;
	v6 =	vld [tilespmem:s20+$0x0]  }
0x43: {  	s23 =	simm.s32 $0x6;
	s5 =	simm.s32 $0x4;
	s20 =	simm.s32 $0x0;
	v5 =	vld [tilespmem:s0+$0x10]  }
.LBB2_2:
0x44: {  	s16 =	sadd.s32 $0x40, s16  }
0x45: {  	s17 =	sadd.s32 $0x40, s17;
	v10 =	vld [tilespmem:s3+$0x0];
	s24 =	smov.u32 s23;
	s30 =	sadd.s32 $0x2, s23  }
0x46: {  	p0 =	slt.u32 s23, $0xFE;
	v12 =	vmul.f32 v8, v4;
	v13 =	vor.u32 s5, v0;
	s23 =	sadd.s32 $0x1, s20;
	s20 =	smov.u32 s4;
	v11 =	vld [tilespmem:s16+$0xFFFFFFE0]  }
0x47: {  	s4 =	smov.u32 s5;
	v9 =	vmul.f32 v9, v7;
	v14 =	vor.u32 s23, v0;
	s5 =	smov.u32 s24;
	v4 =	vld [tilespmem:s17+$0xFFFFFFF0]  }
.Ltmp0:
0x48: {  	v8 =	vld [tilespmem:s16+$0xFFFFFFF0];
	v15 =	vmul.f32 v2, v6;
	v6 =	vmul.f32 v3, v1;
	(pc) =	sbr.rel @p0 .LBB2_2-.Ltmp0, $4  }
0x49: {  	v16 =	vadd.f32 v12, v9;
	v7 =	vld [tilespmem:s17+$0xFFFFFFE0];
	v1 =	vmov v5  }
0x4a: {  	v3 =	vld [tilespmem:s3+$0x10];
	v12 =	vadd.f32 v6, v15;
	v2 =	vmov v10;
	s3 =	smov.u32 s21;
	s21 =	smov.u32 s16  }
0x4b: {  	[tilespmem:v13+s26+$0x0] =	vst.idx.msk $0xffff, v16;
	v6 =	vld [tilespmem:s0+$0x0];
	v9 =	vmov v11;
	s0 =	smov.u32 s22;
	s22 =	smov.u32 s17  }
0x4c: {  	s23 =	smov.u32 s30;
	v5 =	vld [tilespmem:s0+$0x10];
	[tilespmem:v14+s26+$0x0] =	vst.idx.msk $0xffff, v12  }
0x4d: {  	v10 =	vor.u32 s5, v0  }
0x4e: {  	v4 =	vmul.f32 v8, v4;
	v7 =	vmul.f32 v9, v7;
	_ =	sdelay $0x1  }
0x4f: {  	v8 =	vld [tilespmem:s3+$0x0];
	v4 =	vadd.f32 v4, v7  }
0x50: {  	v7 =	vld [tilespmem:s3+$0x10]  }
0x51: {  	[tilespmem:v10+s26+$0x0] =	vst.idx.msk $0xffff, v4;
	v4 =	vld [tilespmem:s0+$0x0]  }
0x52: {  	v9 =	vld [tilespmem:s22+$0x10]  }
0x53: {  	v10 =	vld [tilespmem:s21+$0x0]  }
0x54: {  	v11 =	vld [tilespmem:s21+$0x10]  }
0x55: {  	v12 =	vld [tilespmem:s22+$0x0]  }
0x56: {  	s22 =	sadd.s32 $0x1, s20  }
0x57: {  	s23 =	sadd.s32 $0x1, s4;
	v13 =	vor.u32 s22, v0  }
0x58: {  	s24 =	sadd.s32 $0x1, s5;
	v1 =	vmul.f32 v3, v1;
	v3 =	vor.u32 s23, v0;
	v2 =	vmul.f32 v2, v6  }
0x59: {  	v6 =	vor.u32 s24, v0;
	v5 =	vmul.f32 v7, v5;
	v4 =	vmul.f32 v8, v4  }
0x5a: {  	v1 =	vadd.f32 v1, v2;
	v2 =	vmul.f32 v10, v12;
	v7 =	vmul.f32 v11, v9  }
0x5b: {  	v4 =	vadd.f32 v5, v4  }
0x5c: {  	[tilespmem:v13+s26+$0x0] =	vst.idx.msk $0xffff, v1;
	v1 =	vadd.f32 v7, v2  }
0x5d: {  	[tilespmem:v3+s26+$0x0] =	vst.idx.msk $0xffff, v4  }
0x5e: {  	[tilespmem:v6+s26+$0x0] =	vst.idx.msk $0xffff, v1  }
0x5f: {  	_ =	swait.ge [sflag:s28], $0x2000  }
0x60: {  	[sflag:s28] =	ssyncset.done $0x0  }
0x61: {  	[sflag:s28] =	ssyncadd.s32 $0xFFFFE000  }
0x62: {  	_ =	swait.ge [sflag:s28], $0x2000  }
0x63: {  	[sflag:s28] =	ssyncset.done $0x0  }
0x64: {  	s16 =	simm.s32 $0x6430;
	[sflag:s28] =	ssyncadd.s32 $0xFFFFE000  }
0x65: {  	s30 =	simm.s32 $0x2430;
	v1 =	vld [tilespmem:s16+$0xFFFFFFD0]  }
0x66: {  	v2 =	vld [tilespmem:s30+$0xFFFFFFE0]  }
0x67: {  	v3 =	vld [tilespmem:s16+$0xFFFFFFE0]  }
0x68: {  	v4 =	vld [tilespmem:s30+$0xFFFFFFD0]  }
0x69: {  	s4 =	simm.s32 $0x6470  }
0x6a: {  	s3 =	simm.s32 $0x2470;
	v6 =	vld [tilespmem:s4+$0xFFFFFFD0]  }
0x6b: {  	s0 =	simm.s32 $0x100;
	v7 =	vld [tilespmem:s3+$0xFFFFFFD0]  }
0x6c: {  	v5 =	vor.u32 s0, v0;
	v2 =	vmul.f32 v3, v2;
	v3 =	vld [tilespmem:s3+$0xFFFFFFE0]  }
0x6d: {  	v1 =	vmul.f32 v1, v4;
	v4 =	vld [tilespmem:s4+$0xFFFFFFE0]  }
0x6e: {  	s17 =	simm.s32 $0x64B0  }
0x6f: {  	v9 =	vld [tilespmem:s17+$0xFFFFFFD0];
	v1 =	vadd.f32 v2, v1  }
0x70: {  	s5 =	simm.s32 $0x102;
	s20 =	simm.s32 $0x24B0;
	v8 =	vld [tilespmem:s17+$0xFFFFFFE0]  }
0x71: {  	v6 =	vmul.f32 v6, v7;
	v7 =	vld [tilespmem:s20+$0xFFFFFFD0];
	[tilespmem:v5+s26+$0x0] =	vst.idx.msk $0xffff, v1;
	v5 =	vor.u32 s5, v0  }
0x72: {  	v1 =	vld [tilespmem:s30+$0x0];
	v3 =	vmul.f32 v4, v3  }
0x73: {  	v2 =	vld [tilespmem:s16+$0xFFFFFFF0]  }
0x74: {  	v4 =	vld [tilespmem:s20+$0xFFFFFFE0];
	v6 =	vadd.f32 v3, v6  }
0x75: {  	v3 =	vld [tilespmem:s16+$0x0]  }
0x76: {  	s23 =	simm.s32 $0x106;
	[tilespmem:v5+s26+$0x0] =	vst.idx.msk $0xffff, v6;
	v6 =	vld [tilespmem:s30+$0xFFFFFFF0]  }
0x77: {  	s21 =	simm.s32 $0x64B0;
	s22 =	simm.s32 $0x24B0;
	s16 =	simm.s32 $0x104;
	v5 =	vld [tilespmem:s3+$0x0]  }
.LBB2_4:
0x78: {  	s20 =	sadd.s32 $0x40, s20  }
0x79: {  	s17 =	sadd.s32 $0x40, s17;
	v10 =	vld [tilespmem:s4+$0xFFFFFFF0];
	s24 =	smov.u32 s23;
	s30 =	sadd.s32 $0x2, s23  }
0x7a: {  	p0 =	slt.u32 s23, $0x1FE;
	v12 =	vmul.f32 v8, v4;
	v13 =	vor.u32 s16, v0;
	s23 =	sadd.s32 $0x1, s0;
	s0 =	smov.u32 s5;
	v11 =	vld [tilespmem:s17+$0xFFFFFFD0]  }
0x7b: {  	s5 =	smov.u32 s16;
	v9 =	vmul.f32 v9, v7;
	v14 =	vor.u32 s23, v0;
	s16 =	smov.u32 s24;
	v4 =	vld [tilespmem:s20+$0xFFFFFFE0]  }
.Ltmp1:
0x7c: {  	v8 =	vld [tilespmem:s17+$0xFFFFFFE0];
	v15 =	vmul.f32 v2, v6;
	v6 =	vmul.f32 v3, v1;
	(pc) =	sbr.rel @p0 .LBB2_4-.Ltmp1, $4  }
0x7d: {  	v16 =	vadd.f32 v12, v9;
	v7 =	vld [tilespmem:s20+$0xFFFFFFD0];
	v1 =	vmov v5  }
0x7e: {  	v3 =	vld [tilespmem:s4+$0x0];
	v12 =	vadd.f32 v6, v15;
	v2 =	vmov v10;
	s4 =	smov.u32 s21;
	s21 =	smov.u32 s17  }
0x7f: {  	[tilespmem:v13+s26+$0x0] =	vst.idx.msk $0xffff, v16;
	v6 =	vld [tilespmem:s3+$0xFFFFFFF0];
	v9 =	vmov v11;
	s3 =	smov.u32 s22;
	s22 =	smov.u32 s20  }
0x80: {  	s23 =	smov.u32 s30;
	v5 =	vld [tilespmem:s3+$0x0];
	[tilespmem:v14+s26+$0x0] =	vst.idx.msk $0xffff, v12  }
0x81: {  	v10 =	vor.u32 s16, v0  }
0x82: {  	v4 =	vmul.f32 v8, v4;
	v7 =	vmul.f32 v9, v7;
	_ =	sdelay $0x1  }
0x83: {  	v8 =	vld [tilespmem:s4+$0xFFFFFFF0];
	v4 =	vadd.f32 v4, v7  }
0x84: {  	v7 =	vld [tilespmem:s4+$0x0]  }
0x85: {  	[tilespmem:v10+s26+$0x0] =	vst.idx.msk $0xffff, v4;
	v4 =	vld [tilespmem:s3+$0xFFFFFFF0]  }
0x86: {  	v9 =	vld [tilespmem:s22+$0x0]  }
0x87: {  	v10 =	vld [tilespmem:s21+$0xFFFFFFF0]  }
0x88: {  	v11 =	vld [tilespmem:s21+$0x0]  }
0x89: {  	v12 =	vld [tilespmem:s22+$0xFFFFFFF0]  }
0x8a: {  	s0 =	sadd.s32 $0x1, s0  }
0x8b: {  	s5 =	sadd.s32 $0x1, s5;
	v13 =	vor.u32 s0, v0  }
0x8c: {  	s16 =	sadd.s32 $0x1, s16;
	v1 =	vmul.f32 v3, v1;
	v3 =	vor.u32 s5, v0;
	v2 =	vmul.f32 v2, v6  }
0x8d: {  	v6 =	vor.u32 s16, v0;
	v5 =	vmul.f32 v7, v5;
	v4 =	vmul.f32 v8, v4  }
0x8e: {  	v1 =	vadd.f32 v1, v2;
	v2 =	vmul.f32 v10, v12;
	v7 =	vmul.f32 v11, v9  }
0x8f: {  	v4 =	vadd.f32 v5, v4  }
0x90: {  	[tilespmem:v13+s26+$0x0] =	vst.idx.msk $0xffff, v1;
	v1 =	vadd.f32 v7, v2  }
0x91: {  	[tilespmem:v3+s26+$0x0] =	vst.idx.msk $0xffff, v4  }
0x92: {  	[tilespmem:v6+s26+$0x0] =	vst.idx.msk $0xffff, v1  }
0x93: {  	_ =	swait.ge [sflag:s29], $0x200  }
0x94: {  	[sflag:s29] =	ssyncset.done $0x0  }
0x95: {  	[sflag:s29] =	ssyncadd.s32 $0xFFFFFE00  }
0x96: {  	_ =	swait.ge [sflag:s29], $0x200  }
0x97: {  	[sflag:s29] =	ssyncset.done $0x0  }
0x98: {  	[sflag:s29] =	ssyncadd.s32 $0xFFFFFE00  }
0x99: {  	s17 =	simm.s32 $0x8400;
	v1 =	vld [tilespmem:$0x8800]  }
0x9a: {  	s20 =	simm.s32 $0x8600;
	v2 =	vld [tilespmem:s17+$0x0]  }
0x9b: {  	s21 =	simm.s32 $0x9810;
	v3 =	vld [tilespmem:s20+$0x0]  }
0x9c: {  	v4 =	vld [tilespmem:s21+$0xFFFFF000]  }
0x9d: {  	v5 =	vld [tilespmem:s21+$0xFFFFF200]  }
0x9e: {  	v6 =	vld [tilespmem:s21+$0xFFFFF400]  }
0x9f: {  	v7 =	vld [tilespmem:s21+$0xFFFFF600]  }
0xa0: {  	v8 =	vld [tilespmem:s21+$0xFFFFF800]  }
0xa1: {  	v9 =	vld [tilespmem:s21+$0xFFFFFA00]  }
0xa2: {  	s22 =	simm.s32 $0x8410;
	v10 =	vld [tilespmem:s21+$0xFFFFFC00];
	v2 =	vadd.f32 v3, v2  }
0xa3: {  	s23 =	simm.s32 $0x8610;
	v11 =	vld [tilespmem:s22+$0x0]  }
0xa4: {  	v51 =	vld [tilespmem:s23+$0x0];
	v2 =	vadd.f32 v2, v1  }
0xa5: {  	s24 =	simm.s32 $0x9820;
	v52 =	vld [tilespmem:s21+$0x0]  }
0xa6: {  	v14 =	vld [tilespmem:s24+$0xFFFFF000];
	v2 =	vadd.f32 v2, v4  }
0xa7: {  	v53 =	vld [tilespmem:s24+$0xFFFFF200]  }
0xa8: {  	v15 =	vld [tilespmem:s24+$0xFFFFF400];
	v2 =	vadd.f32 v2, v5  }
0xa9: {  	v54 =	vld [tilespmem:s24+$0xFFFFF600];
	v11 =	vadd.f32 v51, v11  }
0xaa: {  	v55 =	vld [tilespmem:s24+$0xFFFFF800];
	v2 =	vadd.f32 v2, v6  }
0xab: {  	v56 =	vld [tilespmem:s24+$0xFFFFFA00];
	v11 =	vadd.f32 v11, v1  }
0xac: {  	s30 =	simm.s32 $0x8420;
	v57 =	vld [tilespmem:s24+$0xFFFFFC00];
	v2 =	vadd.f32 v2, v7  }
0xad: {  	s4 =	simm.s32 $0x8620;
	v58 =	vld [tilespmem:s30+$0x0];
	v11 =	vadd.f32 v11, v14  }
0xae: {  	v59 =	vld [tilespmem:s4+$0x0];
	v2 =	vadd.f32 v2, v8  }
0xaf: {  	v3 =	vld [tilespmem:s21+$0xFFFFFE00];
	v11 =	vadd.f32 v11, v53  }
0xb0: {  	s0 =	simm.s32 $0x9830;
	v60 =	vld [tilespmem:s24+$0x0];
	v2 =	vadd.f32 v2, v9  }
0xb1: {  	v61 =	vld [tilespmem:s0+$0xFFFFF000];
	v11 =	vadd.f32 v11, v15  }
0xb2: {  	v62 =	vld [tilespmem:s0+$0xFFFFF400];
	v2 =	vadd.f32 v2, v10  }
0xb3: {  	v5 =	vld [tilespmem:s21+$0x200];
	v11 =	vadd.f32 v11, v54  }
0xb4: {  	v63 =	vld [tilespmem:s0+$0xFFFFF600];
	v2 =	vadd.f32 v2, v3  }
0xb5: {  	v6 =	vld [tilespmem:s21+$0x400];
	v11 =	vadd.f32 v11, v55  }
0xb6: {  	v3 =	vld [tilespmem:s24+$0xFFFFFE00];
	v2 =	vadd.f32 v2, v52  }
0xb7: {  	v7 =	vld [tilespmem:s21+$0x600];
	v11 =	vadd.f32 v11, v56  }
0xb8: {  	v8 =	vld [tilespmem:s21+$0x800];
	v5 =	vadd.f32 v2, v5  }
0xb9: {  	v9 =	vld [tilespmem:s21+$0xA00];
	v11 =	vadd.f32 v11, v57  }
0xba: {  	v5 =	vadd.f32 v5, v6;
	v6 =	vld [tilespmem:s24+$0x200]  }
0xbb: {  	v10 =	vld [tilespmem:s21+$0xC00];
	v3 =	vadd.f32 v11, v3  }
0xbc: {  	v12 =	vadd.f32 v59, v58;
	v5 =	vadd.f32 v5, v7;
	v7 =	vld [tilespmem:s24+$0x400]  }
0xbd: {  	v11 =	vld [tilespmem:s0+$0xFFFFF200];
	v3 =	vadd.f32 v3, v60  }
0xbe: {  	v12 =	vadd.f32 v12, v1;
	v4 =	vld [tilespmem:s21+$0xE00];
	v5 =	vadd.f32 v5, v8  }
0xbf: {  	v8 =	vld [tilespmem:s24+$0x600];
	v6 =	vadd.f32 v3, v6  }
0xc0: {  	v12 =	vadd.f32 v12, v61;
	v2 =	vld [tilespmem:s24+$0xE00];
	v5 =	vadd.f32 v5, v9  }
0xc1: {  	v9 =	vld [tilespmem:s24+$0x800];
	v7 =	vadd.f32 v6, v7  }
0xc2: {  	v3 =	vld [tilespmem:s24+$0xA00];
	v5 =	vadd.f32 v5, v10;
	v10 =	vadd.f32 v12, v11  }
0xc3: {  	v6 =	vld [tilespmem:s0+$0xFFFFF800]  }
0xc4: {  	v8 =	vadd.f32 v7, v8;
	v7 =	vld [tilespmem:s0+$0xFFFFFA00];
	v10 =	vadd.f32 v10, v62  }
0xc5: {  	v11 =	vadd.f32 v5, v4;
	v4 =	vld [tilespmem:s24+$0xC00]  }
0xc6: {  	s3 =	simm.s32 $0xA810;
	v5 =	vld [tilespmem:s0+$0xFFFFFE00];
	v8 =	vadd.f32 v8, v9;
	v10 =	vadd.f32 v10, v63  }
0xc7: {  	s5 =	simm.s32 $0x9830;
	s16 =	simm.s32 $0x20;
	s17 =	simm.s32 $0x8430;
	v9 =	vld [tilespmem:s0+$0xFFFFFC00];
	[tilespmem:s3+$0x0] =	vst v11  }
.LBB2_6:
0xc8: {  	v11 =	vld [tilespmem:s17+$0x0];
	v6 =	vadd.f32 v10, v6;
	s4 =	sadd.s32 $0x10, s4;
	v3 =	vadd.f32 v8, v3  }
0xc9: {  	s16 =	sadd.s32 $0x10, s16;
	v8 =	vld [tilespmem:s4+$0x0]  }
0xca: {  	p0 =	slt.u32 s16, $0x1F0;
	v6 =	vadd.f32 v6, v7;
	v7 =	vld [tilespmem:s0+$0xE00];
	v3 =	vadd.f32 v3, v4  }
0xcb: {  	v4 =	vld [tilespmem:s0+$0x0]  }
0xcc: {  	s0 =	sadd.s32 $0x10, s0;
	v6 =	vadd.f32 v6, v9;
	v9 =	vld [tilespmem:s5+$0x200];
	v12 =	vadd.f32 v3, v2  }
0xcd: {  	s3 =	sadd.s32 $0x10, s3;
	v3 =	vld [tilespmem:s0+$0xFFFFF000]  }
0xce: {  	v8 =	vadd.f32 v8, v11;
	v5 =	vadd.f32 v6, v5;
	v6 =	vld [tilespmem:s5+$0x400];
	[tilespmem:s3+$0x0] =	vst v12  }
0xcf: {  	v10 =	vld [tilespmem:s0+$0xFFFFF200];
	v2 =	vmov v7  }
0xd0: {  	v7 =	vadd.f32 v8, v1;
	v4 =	vadd.f32 v5, v4;
	v5 =	vld [tilespmem:s5+$0x600]  }
0xd1: {  	v8 =	vld [tilespmem:s0+$0xFFFFF400]  }
0xd2: {  	v3 =	vadd.f32 v7, v3;
	v4 =	vadd.f32 v4, v9;
	v9 =	vld [tilespmem:s5+$0x800]  }
0xd3: {  	v11 =	vld [tilespmem:s0+$0xFFFFF600]  }
0xd4: {  	v7 =	vadd.f32 v3, v10;
	v4 =	vadd.f32 v4, v6;
	v3 =	vld [tilespmem:s5+$0xA00]  }
.Ltmp2:
0xd5: {  	v6 =	vld [tilespmem:s0+$0xFFFFF800];
	(pc) =	sbr.rel @p0 .LBB2_6-.Ltmp2, $4  }
0xd6: {  	v8 =	vadd.f32 v7, v8;
	v12 =	vadd.f32 v4, v5;
	v4 =	vld [tilespmem:s5+$0xC00];
	s5 =	smov.u32 s0  }
0xd7: {  	v7 =	vld [tilespmem:s0+$0xFFFFFA00]  }
0xd8: {  	v10 =	vadd.f32 v8, v11;
	v5 =	vld [tilespmem:s0+$0xFFFFFE00];
	v8 =	vadd.f32 v12, v9  }
0xd9: {  	s17 =	sadd.s32 $0x10, s17;
	v9 =	vld [tilespmem:s0+$0xFFFFFC00]  }
0xda: {  	v1 =	vadd.f32 v10, v6;
	_ =	sdelay $0x1  }
0xdb: {  	v1 =	vadd.f32 v1, v7  }
0xdc: {  	v56 =	vld [tilespmem:s0+$0x0]  }
0xdd: {  	v1 =	vadd.f32 v1, v9  }
0xde: {  	v57 =	vld [tilespmem:s5+$0x200]  }
0xdf: {  	v1 =	vadd.f32 v1, v5  }
0xe0: {  	v58 =	vld [tilespmem:s5+$0x400]  }
0xe1: {  	v1 =	vadd.f32 v1, v56  }
0xe2: {  	v59 =	vld [tilespmem:s5+$0x600]  }
0xe3: {  	v1 =	vadd.f32 v1, v57  }
0xe4: {  	v60 =	vld [tilespmem:s5+$0x800]  }
0xe5: {  	v1 =	vadd.f32 v1, v58  }
0xe6: {  	v61 =	vld [tilespmem:s5+$0xA00]  }
0xe7: {  	v1 =	vadd.f32 v1, v59  }
0xe8: {  	v62 =	vld [tilespmem:s5+$0xC00]  }
0xe9: {  	v1 =	vadd.f32 v1, v60  }
0xea: {  	v3 =	vadd.f32 v8, v3;
	v63 =	vld [tilespmem:s0+$0xE00]  }
0xeb: {  	v1 =	vadd.f32 v1, v61  }
0xec: {  	v3 =	vadd.f32 v3, v4  }
0xed: {  	v1 =	vadd.f32 v1, v62  }
0xee: {  	v2 =	vadd.f32 v3, v2  }
0xef: {  	s24 =	sadd.s32 $0x10, s3;
	s31 =	sadd.s32 $0x1, s31;
	v1 =	vadd.f32 v1, v63  }
0xf0: {  	s0 =	sadd.s32 $0x10, s24;
	p0 =	sne.s32 s31, s11;
	[tilespmem:s24+$0x0] =	vst v2  }
.Ltmp3:
0xf1: {  	s30 =	simm.s32 $0xA810;
	[tilespmem:s0+$0x0] =	vst v1;
	(pc) =	sbr.rel @p0 .LBB2_1-.Ltmp3, $4  }
0xf2: {  	[hbm4b:s10+s6] =	stream.linear.scatter [tilespmem:s30], [sflag:$0x4], $0x200, $0x38;
	[tilespmem:$0xAA10] =	vst v63  }
0xf3: {  	_ =	swait.ge [sflag:s14], $0x200  }
0xf4: {  	[sflag:s14] =	ssyncset.done $0x0  }
0xf5: {  	[sflag:s14] =	ssyncadd.s32 $0xFFFFFE00  }
0xf6: {  	_ =	sfence.sel $0x180000  }
0xf7: {  	[bflag:$0x0] =	sbarrier.arrive $0xFFFF  }
0xf8: {  	_ =	strace $0x90000047  }
0xf9: {  	s0 =	stileid.u32;
	[bflag:$0x2] =	sbarrier.arrive $0xFFFF  }
0xfa: {  	p0 =	sne.s32 s0, $0x0;
	s0 =	rddreg [dreg:$0x6]  }
0xfb: {  	s0 =	sadd.s32 @!p0 $0x100000, s0  }
0xfc: {  	[sflag:s0] =	ssyncadd.tile.s32 @!p0 $0x1;
	_ =	shalt  }
.Lfunc_end2:
_tile_overlayer_lowered:
.L_overlay_start_2:
0xfd: {  	(tag) =	ssettag $0x2  }
0xfe: {  	s0 =	rddreg [dreg:$0x0];
	s2 =	stileid.u32  }
0xff: {  	s1 =	rddreg [dreg:$0x1];
	p0 =	sne.s32 s2, $0x0  }
0x100: {  	s3 =	rddreg [dreg:$0x2];
	[bflag:$0x3] =	sbarrier.arrive $0xFFFF;
	s2 =	simm.s32 @!p0 $0x1C04  }
0x101: {  	[timem:s3], [sflag:s2] =	dma.local @!p0 [hbm:s0], s1  }
0x102: {  	s0 =	simm.s32 @!p0 $0x4  }
0x103: {  	_ =	swait.ge @!p0 [sflag:s0], s1  }
0x104: {  	s1 =	ssub.s32 @!p0 $0x0, s1;
	[sflag:s0] =	ssyncset.done @!p0 $0x0  }
0x105: {  	[sflag:s0] =	ssyncadd.s32 @!p0 s1  }
0x106: {  	[bflag:$0x3] =	sbarrier.arrive $0xFFFF  }
0x107: {  	_ =	shalt  }

</sc_bundles>
